<compile_context>
chip_gen: v7x
topology: tpu7x:2x2x1
jax: 0.10.2.dev20260603
libtpu: 0.0.44.dev20260713+nightly
codegen_flags: <defaults>
</compile_context>

<pallas_src>
import functools

import jax
import jax.numpy as jnp
from jax import lax
from jax.experimental import pallas as pl
from jax.experimental.pallas import tpu as pltpu
from jax.experimental.pallas import tpu_sc as plsc

D = 64
C = 128
NBUF = 4


def kernel(ids, W_word, W_bert):
    B, L = ids.shape
    N = B * L
    info = plsc.get_sparse_core_info()
    NC, NS = info.num_cores, info.num_subcores
    NW = NC * NS
    nchunk_total = N // C
    nchunk = nchunk_total // NW
    assert nchunk * NW * C == N and nchunk % NBUF == 0 and nchunk >= 2 * NBUF

    ids2 = ids.reshape(nchunk_total, C).astype(jnp.int32)
    WC = jnp.concatenate([W_word, W_bert], axis=1)

    mesh = plsc.VectorSubcoreMesh(core_axis_name="c", subcore_axis_name="s")

    @functools.partial(
        pl.kernel,
        mesh=mesh,
        out_type=jax.ShapeDtypeStruct((nchunk_total, C, 2 * D), jnp.float32),
        scratch_types=[
            pltpu.VMEM((nchunk, C), jnp.int32),
            pltpu.VMEM((NBUF, C, 2 * D), jnp.float32),
            [pltpu.SemaphoreType.DMA] * NBUF,
            [pltpu.SemaphoreType.DMA] * NBUF,
        ],
        compiler_params=pltpu.CompilerParams(use_tc_tiling_on_sc=False),
    )
    def run(ids_hbm, wc_hbm, out_hbm, idx_v, cbuf, gsems, wsems):
        wid = lax.axis_index("s") * NC + lax.axis_index("c")
        crow = wid * nchunk
        pltpu.sync_copy(ids_hbm.at[pl.ds(crow, nchunk)], idx_v)

        def g_desc(j, s):
            return (
                pltpu.make_async_copy(wc_hbm.at[idx_v.at[j]], cbuf.at[s], gsems[s]),
            )

        def w_desc(j, s):
            return (
                pltpu.make_async_copy(cbuf.at[s], out_hbm.at[crow + j], wsems[s]),
            )

        def start(ds):
            for d in ds:
                d.start()

        def wait(ds):
            for d in ds:
                d.wait()

        for j in range(NBUF - 1):
            start(g_desc(j, j))
        for j in range(NBUF):
            wait(g_desc(j, j))
            start(w_desc(j, j))
            if j == 0:
                start(g_desc(NBUF - 1, NBUF - 1))
            else:
                wait(w_desc(j - 1, j - 1))
                start(g_desc(j + NBUF - 1, (j - 1) % NBUF))

        def body(jj, carry):
            for s in range(NBUF):
                j = jj * NBUF + s
                s2 = (s + NBUF - 1) % NBUF
                wait(g_desc(j, s))
                start(w_desc(j, s))
                wait(w_desc(j - 1, s2))
                start(g_desc(j + NBUF - 1, s2))
            return carry

        lax.fori_loop(1, nchunk // NBUF - 1, body, 0)

        for j in range(nchunk - NBUF, nchunk):
            s = j % NBUF
            s2 = (s + NBUF - 1) % NBUF
            wait(g_desc(j, s))
            start(w_desc(j, s))
            if j == nchunk - NBUF:
                wait(w_desc(j - 1, s2))
                start(g_desc(j + NBUF - 1, s2))
        for j in range(nchunk - NBUF, nchunk):
            wait(w_desc(j, j % NBUF))

    out = run(ids2, WC)
    return out.reshape(B, L, 2 * D)

# --- scband reference (transcript-rebuilt; emitter-appended) ---
"""Pipeline reference for scband-embedd-layer-18116172055073 (READ-ONLY COPY).

The authoritative reference and input builder live on the scoring server;
editing this copy changes nothing except your own understanding.
"""

import jax, jax.numpy as jnp
import numpy as np

VOCAB = 1000000
D_MODEL = 64
BATCH = 4096
SEQ = 200

def setup_inputs(seed: int = 0) -> dict:
    key = jax.random.key(seed)
    k_ids, k_w, k_b = jax.random.split(key, 3)
    ids = jax.random.randint(k_ids, (BATCH, SEQ), 0, VOCAB, dtype=jnp.int64) if jax.config.jax_enable_x64 else jax.random.randint(k_ids, (BATCH, SEQ), 0, VOCAB, dtype=jnp.int32)
    W_word = jax.random.normal(k_w, (VOCAB, D_MODEL), dtype=jnp.float32) * 0.02
    W_bert = jax.random.normal(k_b, (VOCAB, D_MODEL), dtype=jnp.float32) * 0.02
    return {"ids": ids, "W_word": W_word, "W_bert": W_bert}

def reference(ids, W_word, W_bert):
    # we = wembed(ids): [B, L, D]
    we = jnp.take(W_word, ids, axis=0)
    # be = bertembed(ids): [B, L, D]
    be = jnp.take(W_bert, ids, axis=0)
    # wd_emb = we.transpose(1, 2): [B, D, L]
    wd_emb = jnp.transpose(we, (0, 2, 1))
    # be_emb = be.transpose(1, 2): [B, D, L]
    be_emb = jnp.transpose(be, (0, 2, 1))
    # emb = cat([wd_emb, be_emb], dim=1): [B, 2D, L]
    emb = jnp.concatenate([wd_emb, be_emb], axis=1)
    # emb = emb.transpose(1, 2): [B, L, 2D]
    emb = jnp.transpose(emb, (0, 2, 1))
    return emb

if __name__ == "__main__":
    import jax
    _d = setup_inputs()
    print(jax.jit(kernel)(*tuple(_d.values())))

</pallas_src>

<mosaic_0001>
#map = affine_map<(d0, d1) -> (0, 0)>
#map1 = affine_map<(d0, d1) -> (0, 0, 0)>
module attributes {stable_mosaic.version = 14 : i64} {
  func.func @run(%arg0: i32, %arg1: i32, %arg2: memref<6400x128xi32, #tpu.memory_space<hbm>>, %arg3: memref<1000000x128xf32, #tpu.memory_space<hbm>>, %arg4: memref<6400x128x128xf32, #tpu.memory_space<hbm>>, %arg5: memref<200x128xi32, #tpu.memory_space<vmem>>, %arg6: memref<4x128x128xf32, #tpu.memory_space<vmem>>, %arg7: memref<!tpu.dma_semaphore, #tpu.memory_space<semaphore_mem>>, %arg8: memref<!tpu.dma_semaphore, #tpu.memory_space<semaphore_mem>>, %arg9: memref<!tpu.dma_semaphore, #tpu.memory_space<semaphore_mem>>, %arg10: memref<!tpu.dma_semaphore, #tpu.memory_space<semaphore_mem>>, %arg11: memref<!tpu.dma_semaphore, #tpu.memory_space<semaphore_mem>>, %arg12: memref<!tpu.dma_semaphore, #tpu.memory_space<semaphore_mem>>, %arg13: memref<!tpu.dma_semaphore, #tpu.memory_space<semaphore_mem>>, %arg14: memref<!tpu.dma_semaphore, #tpu.memory_space<semaphore_mem>>) attributes {dimension_semantics = [#tpu.dimension_semantics<core_parallel>, #tpu.dimension_semantics<subcore_parallel>], iteration_bounds = array<i64: 2, 16>, scalar_prefetch = 0 : i64, scratch_operands = 10 : i64, tpu.core_type = #tpu.core_type<sc_vector_subcore>, window_params = [{transform_indices = #map}, {transform_indices = #map}, {transform_indices = #map1}]} {
    %mul3A = arith.constant 2 : i32
    %mul3A_0 = arith.muli %arg1, %mul3A : i32
    %add3A = arith.addi %mul3A_0, %arg0 : i32
    %mul3A_1 = arith.constant 200 : i32
    %mul3A_2 = arith.muli %add3A, %mul3A_1 : i32
    "tpu.region"() ({
      %run_scoped3A = tpu.sem_alloc : memref<!tpu.dma_semaphore, #tpu.memory_space<semaphore_mem>>
      %dma_start3A_502 = arith.constant 0 : i32
      %dma_start3A_503 = tpu.memref_slice %arg2[%mul3A_2, %dma_start3A_502] : memref<6400x128xi32, #tpu.memory_space<hbm>> -> memref<200x128xi32, #tpu.memory_space<hbm>>
      %dma_start3A_504 = arith.constant 0 : i32
      %dma_start3A_505 = tpu.memref_slice %arg2[%mul3A_2, %dma_start3A_504] : memref<6400x128xi32, #tpu.memory_space<hbm>> -> memref<200x128xi32, #tpu.memory_space<hbm>>
      tpu.enqueue_dma source(%dma_start3A_505 : memref<200x128xi32, #tpu.memory_space<hbm>>) target(%arg5 : memref<200x128xi32, #tpu.memory_space<vmem>>) target_semaphore(%run_scoped3A : memref<!tpu.dma_semaphore, #tpu.memory_space<semaphore_mem>>)
      %dma_wait3A_506 = arith.constant 0 : i32
      %dma_wait3A_507 = tpu.memref_slice %arg2[%mul3A_2, %dma_wait3A_506] : memref<6400x128xi32, #tpu.memory_space<hbm>> -> memref<200x128xi32, #tpu.memory_space<hbm>>
      %dma_wait3A_508 = arith.constant 0 : i32
      %dma_wait3A_509 = tpu.memref_slice %arg2[%mul3A_2, %dma_wait3A_508] : memref<6400x128xi32, #tpu.memory_space<hbm>> -> memref<200x128xi32, #tpu.memory_space<hbm>>
      tpu.wait_dma2 semaphore(%run_scoped3A : memref<!tpu.dma_semaphore, #tpu.memory_space<semaphore_mem>>) src(%dma_wait3A_509 : memref<200x128xi32, #tpu.memory_space<hbm>>) dst(%arg5 : memref<200x128xi32, #tpu.memory_space<vmem>>)
      tpu.yield
    }) : () -> ()
    %dma_start3A = arith.constant 0 : i32
    %dma_start3A_3 = arith.constant 0 : i32
    %dma_start3A_4 = arith.constant 0 : i32
    %dma_start3A_5 = arith.constant 0 : i32
    %dma_start3A_6 = tpu.memref_slice %arg6[%dma_start3A_3, %dma_start3A_4, %dma_start3A_5] : memref<4x128x128xf32, #tpu.memory_space<vmem>> -> memref<1x128x128xf32, #tpu.memory_space<vmem>>
    %dma_start3A_7 = tpu.memref_squeeze %dma_start3A_6 : memref<1x128x128xf32, #tpu.memory_space<vmem>> -> memref<128x128xf32, #tpu.memory_space<vmem>>
    %dma_start3A_8 = arith.constant 0 : i32
    %dma_start3A_9 = tpu.memref_slice %arg5[%dma_start3A, %dma_start3A_8] : memref<200x128xi32, #tpu.memory_space<vmem>> -> memref<1x128xi32, #tpu.memory_space<vmem>>
    %dma_start3A_10 = tpu.memref_squeeze %dma_start3A_9 : memref<1x128xi32, #tpu.memory_space<vmem>> -> memref<128xi32, #tpu.memory_space<vmem>>
    %dma_start3A_11 = arith.constant 0 : i32
    %dma_start3A_12 = arith.constant 0 : i32
    %dma_start3A_13 = tpu.memref_slice %arg3[%dma_start3A_11, %dma_start3A_12] : memref<1000000x128xf32, #tpu.memory_space<hbm>> -> memref<1000000x128xf32, #tpu.memory_space<hbm>>
    tpu.enqueue_indirect_dma source(%dma_start3A_13 : memref<1000000x128xf32, #tpu.memory_space<hbm>>) target(%dma_start3A_7 : memref<128x128xf32, #tpu.memory_space<vmem>>) offsets(%dma_start3A_10 : memref<128xi32, #tpu.memory_space<vmem>>) semaphore(%arg7 : memref<!tpu.dma_semaphore, #tpu.memory_space<semaphore_mem>>)
    %dma_start3A_14 = arith.constant 1 : i32
    %dma_start3A_15 = arith.constant 1 : i32
    %dma_start3A_16 = arith.constant 0 : i32
    %dma_start3A_17 = arith.constant 0 : i32
    %dma_start3A_18 = tpu.memref_slice %arg6[%dma_start3A_15, %dma_start3A_16, %dma_start3A_17] : memref<4x128x128xf32, #tpu.memory_space<vmem>> -> memref<1x128x128xf32, #tpu.memory_space<vmem>>
    %dma_start3A_19 = tpu.memref_squeeze %dma_start3A_18 : memref<1x128x128xf32, #tpu.memory_space<vmem>> -> memref<128x128xf32, #tpu.memory_space<vmem>>
    %dma_start3A_20 = arith.constant 0 : i32
    %dma_start3A_21 = tpu.memref_slice %arg5[%dma_start3A_14, %dma_start3A_20] : memref<200x128xi32, #tpu.memory_space<vmem>> -> memref<1x128xi32, #tpu.memory_space<vmem>>
    %dma_start3A_22 = tpu.memref_squeeze %dma_start3A_21 : memref<1x128xi32, #tpu.memory_space<vmem>> -> memref<128xi32, #tpu.memory_space<vmem>>
    %dma_start3A_23 = arith.constant 0 : i32
    %dma_start3A_24 = arith.constant 0 : i32
    %dma_start3A_25 = tpu.memref_slice %arg3[%dma_start3A_23, %dma_start3A_24] : memref<1000000x128xf32, #tpu.memory_space<hbm>> -> memref<1000000x128xf32, #tpu.memory_space<hbm>>
    tpu.enqueue_indirect_dma source(%dma_start3A_25 : memref<1000000x128xf32, #tpu.memory_space<hbm>>) target(%dma_start3A_19 : memref<128x128xf32, #tpu.memory_space<vmem>>) offsets(%dma_start3A_22 : memref<128xi32, #tpu.memory_space<vmem>>) semaphore(%arg8 : memref<!tpu.dma_semaphore, #tpu.memory_space<semaphore_mem>>)
    %dma_start3A_26 = arith.constant 2 : i32
    %dma_start3A_27 = arith.constant 2 : i32
    %dma_start3A_28 = arith.constant 0 : i32
    %dma_start3A_29 = arith.constant 0 : i32
    %dma_start3A_30 = tpu.memref_slice %arg6[%dma_start3A_27, %dma_start3A_28, %dma_start3A_29] : memref<4x128x128xf32, #tpu.memory_space<vmem>> -> memref<1x128x128xf32, #tpu.memory_space<vmem>>
    %dma_start3A_31 = tpu.memref_squeeze %dma_start3A_30 : memref<1x128x128xf32, #tpu.memory_space<vmem>> -> memref<128x128xf32, #tpu.memory_space<vmem>>
    %dma_start3A_32 = arith.constant 0 : i32
    %dma_start3A_33 = tpu.memref_slice %arg5[%dma_start3A_26, %dma_start3A_32] : memref<200x128xi32, #tpu.memory_space<vmem>> -> memref<1x128xi32, #tpu.memory_space<vmem>>
    %dma_start3A_34 = tpu.memref_squeeze %dma_start3A_33 : memref<1x128xi32, #tpu.memory_space<vmem>> -> memref<128xi32, #tpu.memory_space<vmem>>
    %dma_start3A_35 = arith.constant 0 : i32
    %dma_start3A_36 = arith.constant 0 : i32
    %dma_start3A_37 = tpu.memref_slice %arg3[%dma_start3A_35, %dma_start3A_36] : memref<1000000x128xf32, #tpu.memory_space<hbm>> -> memref<1000000x128xf32, #tpu.memory_space<hbm>>
    tpu.enqueue_indirect_dma source(%dma_start3A_37 : memref<1000000x128xf32, #tpu.memory_space<hbm>>) target(%dma_start3A_31 : memref<128x128xf32, #tpu.memory_space<vmem>>) offsets(%dma_start3A_34 : memref<128xi32, #tpu.memory_space<vmem>>) semaphore(%arg9 : memref<!tpu.dma_semaphore, #tpu.memory_space<semaphore_mem>>)
    %dma_wait3A = arith.constant 0 : i32
    %dma_wait3A_38 = arith.constant 0 : i32
    %dma_wait3A_39 = arith.constant 0 : i32
    %dma_wait3A_40 = arith.constant 0 : i32
    %dma_wait3A_41 = tpu.memref_slice %arg6[%dma_wait3A_38, %dma_wait3A_39, %dma_wait3A_40] : memref<4x128x128xf32, #tpu.memory_space<vmem>> -> memref<1x128x128xf32, #tpu.memory_space<vmem>>
    %dma_wait3A_42 = tpu.memref_squeeze %dma_wait3A_41 : memref<1x128x128xf32, #tpu.memory_space<vmem>> -> memref<128x128xf32, #tpu.memory_space<vmem>>
    %dma_wait3A_43 = arith.constant 0 : i32
    %dma_wait3A_44 = tpu.memref_slice %arg5[%dma_wait3A, %dma_wait3A_43] : memref<200x128xi32, #tpu.memory_space<vmem>> -> memref<1x128xi32, #tpu.memory_space<vmem>>
    %dma_wait3A_45 = tpu.memref_squeeze %dma_wait3A_44 : memref<1x128xi32, #tpu.memory_space<vmem>> -> memref<128xi32, #tpu.memory_space<vmem>>
    %dma_wait3A_46 = arith.constant 0 : i32
    %dma_wait3A_47 = arith.constant 0 : i32
    %dma_wait3A_48 = tpu.memref_slice %arg3[%dma_wait3A_46, %dma_wait3A_47] : memref<1000000x128xf32, #tpu.memory_space<hbm>> -> memref<1000000x128xf32, #tpu.memory_space<hbm>>
    tpu.wait_indirect_dma semaphore(%arg7 : memref<!tpu.dma_semaphore, #tpu.memory_space<semaphore_mem>>) src(%dma_wait3A_48 : memref<1000000x128xf32, #tpu.memory_space<hbm>>) dst(%dma_wait3A_42 : memref<128x128xf32, #tpu.memory_space<vmem>>)
    %add3A_49 = arith.constant 0 : i32
    %add3A_50 = arith.addi %mul3A_2, %add3A_49 : i32
    %dma_start3A_51 = arith.constant 0 : i32
    %dma_start3A_52 = arith.constant 0 : i32
    %dma_start3A_53 = arith.constant 0 : i32
    %dma_start3A_54 = tpu.memref_slice %arg6[%dma_start3A_51, %dma_start3A_52, %dma_start3A_53] : memref<4x128x128xf32, #tpu.memory_space<vmem>> -> memref<1x128x128xf32, #tpu.memory_space<vmem>>
    %dma_start3A_55 = tpu.memref_squeeze %dma_start3A_54 : memref<1x128x128xf32, #tpu.memory_space<vmem>> -> memref<128x128xf32, #tpu.memory_space<vmem>>
    %dma_start3A_56 = arith.constant 0 : i32
    %dma_start3A_57 = arith.constant 0 : i32
    %dma_start3A_58 = tpu.memref_slice %arg4[%add3A_50, %dma_start3A_56, %dma_start3A_57] : memref<6400x128x128xf32, #tpu.memory_space<hbm>> -> memref<1x128x128xf32, #tpu.memory_space<hbm>>
    %dma_start3A_59 = tpu.memref_squeeze %dma_start3A_58 : memref<1x128x128xf32, #tpu.memory_space<hbm>> -> memref<128x128xf32, #tpu.memory_space<hbm>>
    %dma_start3A_60 = arith.constant 0 : i32
    %dma_start3A_61 = arith.constant 0 : i32
    %dma_start3A_62 = tpu.memref_slice %arg4[%add3A_50, %dma_start3A_60, %dma_start3A_61] : memref<6400x128x128xf32, #tpu.memory_space<hbm>> -> memref<1x128x128xf32, #tpu.memory_space<hbm>>
    %dma_start3A_63 = tpu.memref_squeeze %dma_start3A_62 : memref<1x128x128xf32, #tpu.memory_space<hbm>> -> memref<128x128xf32, #tpu.memory_space<hbm>>
    %dma_start3A_64 = arith.constant 0 : i32
    %dma_start3A_65 = arith.constant 0 : i32
    %dma_start3A_66 = tpu.memref_slice %arg6[%dma_start3A_51, %dma_start3A_64, %dma_start3A_65] : memref<4x128x128xf32, #tpu.memory_space<vmem>> -> memref<1x128x128xf32, #tpu.memory_space<vmem>>
    %dma_start3A_67 = tpu.memref_squeeze %dma_start3A_66 : memref<1x128x128xf32, #tpu.memory_space<vmem>> -> memref<128x128xf32, #tpu.memory_space<vmem>>
    tpu.enqueue_dma source(%dma_start3A_67 : memref<128x128xf32, #tpu.memory_space<vmem>>) target(%dma_start3A_63 : memref<128x128xf32, #tpu.memory_space<hbm>>) target_semaphore(%arg11 : memref<!tpu.dma_semaphore, #tpu.memory_space<semaphore_mem>>)
    %dma_start3A_68 = arith.constant 3 : i32
    %dma_start3A_69 = arith.constant 3 : i32
    %dma_start3A_70 = arith.constant 0 : i32
    %dma_start3A_71 = arith.constant 0 : i32
    %dma_start3A_72 = tpu.memref_slice %arg6[%dma_start3A_69, %dma_start3A_70, %dma_start3A_71] : memref<4x128x128xf32, #tpu.memory_space<vmem>> -> memref<1x128x128xf32, #tpu.memory_space<vmem>>
    %dma_start3A_73 = tpu.memref_squeeze %dma_start3A_72 : memref<1x128x128xf32, #tpu.memory_space<vmem>> -> memref<128x128xf32, #tpu.memory_space<vmem>>
    %dma_start3A_74 = arith.constant 0 : i32
    %dma_start3A_75 = tpu.memref_slice %arg5[%dma_start3A_68, %dma_start3A_74] : memref<200x128xi32, #tpu.memory_space<vmem>> -> memref<1x128xi32, #tpu.memory_space<vmem>>
    %dma_start3A_76 = tpu.memref_squeeze %dma_start3A_75 : memref<1x128xi32, #tpu.memory_space<vmem>> -> memref<128xi32, #tpu.memory_space<vmem>>
    %dma_start3A_77 = arith.constant 0 : i32
    %dma_start3A_78 = arith.constant 0 : i32
    %dma_start3A_79 = tpu.memref_slice %arg3[%dma_start3A_77, %dma_start3A_78] : memref<1000000x128xf32, #tpu.memory_space<hbm>> -> memref<1000000x128xf32, #tpu.memory_space<hbm>>
    tpu.enqueue_indirect_dma source(%dma_start3A_79 : memref<1000000x128xf32, #tpu.memory_space<hbm>>) target(%dma_start3A_73 : memref<128x128xf32, #tpu.memory_space<vmem>>) offsets(%dma_start3A_76 : memref<128xi32, #tpu.memory_space<vmem>>) semaphore(%arg10 : memref<!tpu.dma_semaphore, #tpu.memory_space<semaphore_mem>>)
    %dma_wait3A_80 = arith.constant 1 : i32
    %dma_wait3A_81 = arith.constant 1 : i32
    %dma_wait3A_82 = arith.constant 0 : i32
    %dma_wait3A_83 = arith.constant 0 : i32
    %dma_wait3A_84 = tpu.memref_slice %arg6[%dma_wait3A_81, %dma_wait3A_82, %dma_wait3A_83] : memref<4x128x128xf32, #tpu.memory_space<vmem>> -> memref<1x128x128xf32, #tpu.memory_space<vmem>>
    %dma_wait3A_85 = tpu.memref_squeeze %dma_wait3A_84 : memref<1x128x128xf32, #tpu.memory_space<vmem>> -> memref<128x128xf32, #tpu.memory_space<vmem>>
    %dma_wait3A_86 = arith.constant 0 : i32
    %dma_wait3A_87 = tpu.memref_slice %arg5[%dma_wait3A_80, %dma_wait3A_86] : memref<200x128xi32, #tpu.memory_space<vmem>> -> memref<1x128xi32, #tpu.memory_space<vmem>>
    %dma_wait3A_88 = tpu.memref_squeeze %dma_wait3A_87 : memref<1x128xi32, #tpu.memory_space<vmem>> -> memref<128xi32, #tpu.memory_space<vmem>>
    %dma_wait3A_89 = arith.constant 0 : i32
    %dma_wait3A_90 = arith.constant 0 : i32
    %dma_wait3A_91 = tpu.memref_slice %arg3[%dma_wait3A_89, %dma_wait3A_90] : memref<1000000x128xf32, #tpu.memory_space<hbm>> -> memref<1000000x128xf32, #tpu.memory_space<hbm>>
    tpu.wait_indirect_dma semaphore(%arg8 : memref<!tpu.dma_semaphore, #tpu.memory_space<semaphore_mem>>) src(%dma_wait3A_91 : memref<1000000x128xf32, #tpu.memory_space<hbm>>) dst(%dma_wait3A_85 : memref<128x128xf32, #tpu.memory_space<vmem>>)
    %add3A_92 = arith.constant 1 : i32
    %add3A_93 = arith.addi %mul3A_2, %add3A_92 : i32
    %dma_start3A_94 = arith.constant 1 : i32
    %dma_start3A_95 = arith.constant 0 : i32
    %dma_start3A_96 = arith.constant 0 : i32
    %dma_start3A_97 = tpu.memref_slice %arg6[%dma_start3A_94, %dma_start3A_95, %dma_start3A_96] : memref<4x128x128xf32, #tpu.memory_space<vmem>> -> memref<1x128x128xf32, #tpu.memory_space<vmem>>
    %dma_start3A_98 = tpu.memref_squeeze %dma_start3A_97 : memref<1x128x128xf32, #tpu.memory_space<vmem>> -> memref<128x128xf32, #tpu.memory_space<vmem>>
    %dma_start3A_99 = arith.constant 0 : i32
    %dma_start3A_100 = arith.constant 0 : i32
    %dma_start3A_101 = tpu.memref_slice %arg4[%add3A_93, %dma_start3A_99, %dma_start3A_100] : memref<6400x128x128xf32, #tpu.memory_space<hbm>> -> memref<1x128x128xf32, #tpu.memory_space<hbm>>
    %dma_start3A_102 = tpu.memref_squeeze %dma_start3A_101 : memref<1x128x128xf32, #tpu.memory_space<hbm>> -> memref<128x128xf32, #tpu.memory_space<hbm>>
    %dma_start3A_103 = arith.constant 0 : i32
    %dma_start3A_104 = arith.constant 0 : i32
    %dma_start3A_105 = tpu.memref_slice %arg4[%add3A_93, %dma_start3A_103, %dma_start3A_104] : memref<6400x128x128xf32, #tpu.memory_space<hbm>> -> memref<1x128x128xf32, #tpu.memory_space<hbm>>
    %dma_start3A_106 = tpu.memref_squeeze %dma_start3A_105 : memref<1x128x128xf32, #tpu.memory_space<hbm>> -> memref<128x128xf32, #tpu.memory_space<hbm>>
    %dma_start3A_107 = arith.constant 0 : i32
    %dma_start3A_108 = arith.constant 0 : i32
    %dma_start3A_109 = tpu.memref_slice %arg6[%dma_start3A_94, %dma_start3A_107, %dma_start3A_108] : memref<4x128x128xf32, #tpu.memory_space<vmem>> -> memref<1x128x128xf32, #tpu.memory_space<vmem>>
    %dma_start3A_110 = tpu.memref_squeeze %dma_start3A_109 : memref<1x128x128xf32, #tpu.memory_space<vmem>> -> memref<128x128xf32, #tpu.memory_space<vmem>>
    tpu.enqueue_dma source(%dma_start3A_110 : memref<128x128xf32, #tpu.memory_space<vmem>>) target(%dma_start3A_106 : memref<128x128xf32, #tpu.memory_space<hbm>>) target_semaphore(%arg12 : memref<!tpu.dma_semaphore, #tpu.memory_space<semaphore_mem>>)
    %add3A_111 = arith.constant 0 : i32
    %add3A_112 = arith.addi %mul3A_2, %add3A_111 : i32
    %dma_wait3A_113 = arith.constant 0 : i32
    %dma_wait3A_114 = arith.constant 0 : i32
    %dma_wait3A_115 = arith.constant 0 : i32
    %dma_wait3A_116 = tpu.memref_slice %arg6[%dma_wait3A_113, %dma_wait3A_114, %dma_wait3A_115] : memref<4x128x128xf32, #tpu.memory_space<vmem>> -> memref<1x128x128xf32, #tpu.memory_space<vmem>>
    %dma_wait3A_117 = tpu.memref_squeeze %dma_wait3A_116 : memref<1x128x128xf32, #tpu.memory_space<vmem>> -> memref<128x128xf32, #tpu.memory_space<vmem>>
    %dma_wait3A_118 = arith.constant 0 : i32
    %dma_wait3A_119 = arith.constant 0 : i32
    %dma_wait3A_120 = tpu.memref_slice %arg4[%add3A_112, %dma_wait3A_118, %dma_wait3A_119] : memref<6400x128x128xf32, #tpu.memory_space<hbm>> -> memref<1x128x128xf32, #tpu.memory_space<hbm>>
    %dma_wait3A_121 = tpu.memref_squeeze %dma_wait3A_120 : memref<1x128x128xf32, #tpu.memory_space<hbm>> -> memref<128x128xf32, #tpu.memory_space<hbm>>
    %dma_wait3A_122 = arith.constant 0 : i32
    %dma_wait3A_123 = arith.constant 0 : i32
    %dma_wait3A_124 = tpu.memref_slice %arg4[%add3A_112, %dma_wait3A_122, %dma_wait3A_123] : memref<6400x128x128xf32, #tpu.memory_space<hbm>> -> memref<1x128x128xf32, #tpu.memory_space<hbm>>
    %dma_wait3A_125 = tpu.memref_squeeze %dma_wait3A_124 : memref<1x128x128xf32, #tpu.memory_space<hbm>> -> memref<128x128xf32, #tpu.memory_space<hbm>>
    %dma_wait3A_126 = arith.constant 0 : i32
    %dma_wait3A_127 = arith.constant 0 : i32
    %dma_wait3A_128 = tpu.memref_slice %arg6[%dma_wait3A_113, %dma_wait3A_126, %dma_wait3A_127] : memref<4x128x128xf32, #tpu.memory_space<vmem>> -> memref<1x128x128xf32, #tpu.memory_space<vmem>>
    %dma_wait3A_129 = tpu.memref_squeeze %dma_wait3A_128 : memref<1x128x128xf32, #tpu.memory_space<vmem>> -> memref<128x128xf32, #tpu.memory_space<vmem>>
    tpu.wait_dma2 semaphore(%arg11 : memref<!tpu.dma_semaphore, #tpu.memory_space<semaphore_mem>>) src(%dma_wait3A_129 : memref<128x128xf32, #tpu.memory_space<vmem>>) dst(%dma_wait3A_125 : memref<128x128xf32, #tpu.memory_space<hbm>>)
    %dma_start3A_130 = arith.constant 4 : i32
    %dma_start3A_131 = arith.constant 0 : i32
    %dma_start3A_132 = arith.constant 0 : i32
    %dma_start3A_133 = arith.constant 0 : i32
    %dma_start3A_134 = tpu.memref_slice %arg6[%dma_start3A_131, %dma_start3A_132, %dma_start3A_133] : memref<4x128x128xf32, #tpu.memory_space<vmem>> -> memref<1x128x128xf32, #tpu.memory_space<vmem>>
    %dma_start3A_135 = tpu.memref_squeeze %dma_start3A_134 : memref<1x128x128xf32, #tpu.memory_space<vmem>> -> memref<128x128xf32, #tpu.memory_space<vmem>>
    %dma_start3A_136 = arith.constant 0 : i32
    %dma_start3A_137 = tpu.memref_slice %arg5[%dma_start3A_130, %dma_start3A_136] : memref<200x128xi32, #tpu.memory_space<vmem>> -> memref<1x128xi32, #tpu.memory_space<vmem>>
    %dma_start3A_138 = tpu.memref_squeeze %dma_start3A_137 : memref<1x128xi32, #tpu.memory_space<vmem>> -> memref<128xi32, #tpu.memory_space<vmem>>
    %dma_start3A_139 = arith.constant 0 : i32
    %dma_start3A_140 = arith.constant 0 : i32
    %dma_start3A_141 = tpu.memref_slice %arg3[%dma_start3A_139, %dma_start3A_140] : memref<1000000x128xf32, #tpu.memory_space<hbm>> -> memref<1000000x128xf32, #tpu.memory_space<hbm>>
    tpu.enqueue_indirect_dma source(%dma_start3A_141 : memref<1000000x128xf32, #tpu.memory_space<hbm>>) target(%dma_start3A_135 : memref<128x128xf32, #tpu.memory_space<vmem>>) offsets(%dma_start3A_138 : memref<128xi32, #tpu.memory_space<vmem>>) semaphore(%arg7 : memref<!tpu.dma_semaphore, #tpu.memory_space<semaphore_mem>>)
    %dma_wait3A_142 = arith.constant 2 : i32
    %dma_wait3A_143 = arith.constant 2 : i32
    %dma_wait3A_144 = arith.constant 0 : i32
    %dma_wait3A_145 = arith.constant 0 : i32
    %dma_wait3A_146 = tpu.memref_slice %arg6[%dma_wait3A_143, %dma_wait3A_144, %dma_wait3A_145] : memref<4x128x128xf32, #tpu.memory_space<vmem>> -> memref<1x128x128xf32, #tpu.memory_space<vmem>>
    %dma_wait3A_147 = tpu.memref_squeeze %dma_wait3A_146 : memref<1x128x128xf32, #tpu.memory_space<vmem>> -> memref<128x128xf32, #tpu.memory_space<vmem>>
    %dma_wait3A_148 = arith.constant 0 : i32
    %dma_wait3A_149 = tpu.memref_slice %arg5[%dma_wait3A_142, %dma_wait3A_148] : memref<200x128xi32, #tpu.memory_space<vmem>> -> memref<1x128xi32, #tpu.memory_space<vmem>>
    %dma_wait3A_150 = tpu.memref_squeeze %dma_wait3A_149 : memref<1x128xi32, #tpu.memory_space<vmem>> -> memref<128xi32, #tpu.memory_space<vmem>>
    %dma_wait3A_151 = arith.constant 0 : i32
    %dma_wait3A_152 = arith.constant 0 : i32
    %dma_wait3A_153 = tpu.memref_slice %arg3[%dma_wait3A_151, %dma_wait3A_152] : memref<1000000x128xf32, #tpu.memory_space<hbm>> -> memref<1000000x128xf32, #tpu.memory_space<hbm>>
    tpu.wait_indirect_dma semaphore(%arg9 : memref<!tpu.dma_semaphore, #tpu.memory_space<semaphore_mem>>) src(%dma_wait3A_153 : memref<1000000x128xf32, #tpu.memory_space<hbm>>) dst(%dma_wait3A_147 : memref<128x128xf32, #tpu.memory_space<vmem>>)
    %add3A_154 = arith.constant 2 : i32
    %add3A_155 = arith.addi %mul3A_2, %add3A_154 : i32
    %dma_start3A_156 = arith.constant 2 : i32
    %dma_start3A_157 = arith.constant 0 : i32
    %dma_start3A_158 = arith.constant 0 : i32
    %dma_start3A_159 = tpu.memref_slice %arg6[%dma_start3A_156, %dma_start3A_157, %dma_start3A_158] : memref<4x128x128xf32, #tpu.memory_space<vmem>> -> memref<1x128x128xf32, #tpu.memory_space<vmem>>
    %dma_start3A_160 = tpu.memref_squeeze %dma_start3A_159 : memref<1x128x128xf32, #tpu.memory_space<vmem>> -> memref<128x128xf32, #tpu.memory_space<vmem>>
    %dma_start3A_161 = arith.constant 0 : i32
    %dma_start3A_162 = arith.constant 0 : i32
    %dma_start3A_163 = tpu.memref_slice %arg4[%add3A_155, %dma_start3A_161, %dma_start3A_162] : memref<6400x128x128xf32, #tpu.memory_space<hbm>> -> memref<1x128x128xf32, #tpu.memory_space<hbm>>
    %dma_start3A_164 = tpu.memref_squeeze %dma_start3A_163 : memref<1x128x128xf32, #tpu.memory_space<hbm>> -> memref<128x128xf32, #tpu.memory_space<hbm>>
    %dma_start3A_165 = arith.constant 0 : i32
    %dma_start3A_166 = arith.constant 0 : i32
    %dma_start3A_167 = tpu.memref_slice %arg4[%add3A_155, %dma_start3A_165, %dma_start3A_166] : memref<6400x128x128xf32, #tpu.memory_space<hbm>> -> memref<1x128x128xf32, #tpu.memory_space<hbm>>
    %dma_start3A_168 = tpu.memref_squeeze %dma_start3A_167 : memref<1x128x128xf32, #tpu.memory_space<hbm>> -> memref<128x128xf32, #tpu.memory_space<hbm>>
    %dma_start3A_169 = arith.constant 0 : i32
    %dma_start3A_170 = arith.constant 0 : i32
    %dma_start3A_171 = tpu.memref_slice %arg6[%dma_start3A_156, %dma_start3A_169, %dma_start3A_170] : memref<4x128x128xf32, #tpu.memory_space<vmem>> -> memref<1x128x128xf32, #tpu.memory_space<vmem>>
    %dma_start3A_172 = tpu.memref_squeeze %dma_start3A_171 : memref<1x128x128xf32, #tpu.memory_space<vmem>> -> memref<128x128xf32, #tpu.memory_space<vmem>>
    tpu.enqueue_dma source(%dma_start3A_172 : memref<128x128xf32, #tpu.memory_space<vmem>>) target(%dma_start3A_168 : memref<128x128xf32, #tpu.memory_space<hbm>>) target_semaphore(%arg13 : memref<!tpu.dma_semaphore, #tpu.memory_space<semaphore_mem>>)
    %add3A_173 = arith.constant 1 : i32
    %add3A_174 = arith.addi %mul3A_2, %add3A_173 : i32
    %dma_wait3A_175 = arith.constant 1 : i32
    %dma_wait3A_176 = arith.constant 0 : i32
    %dma_wait3A_177 = arith.constant 0 : i32
    %dma_wait3A_178 = tpu.memref_slice %arg6[%dma_wait3A_175, %dma_wait3A_176, %dma_wait3A_177] : memref<4x128x128xf32, #tpu.memory_space<vmem>> -> memref<1x128x128xf32, #tpu.memory_space<vmem>>
    %dma_wait3A_179 = tpu.memref_squeeze %dma_wait3A_178 : memref<1x128x128xf32, #tpu.memory_space<vmem>> -> memref<128x128xf32, #tpu.memory_space<vmem>>
    %dma_wait3A_180 = arith.constant 0 : i32
    %dma_wait3A_181 = arith.constant 0 : i32
    %dma_wait3A_182 = tpu.memref_slice %arg4[%add3A_174, %dma_wait3A_180, %dma_wait3A_181] : memref<6400x128x128xf32, #tpu.memory_space<hbm>> -> memref<1x128x128xf32, #tpu.memory_space<hbm>>
    %dma_wait3A_183 = tpu.memref_squeeze %dma_wait3A_182 : memref<1x128x128xf32, #tpu.memory_space<hbm>> -> memref<128x128xf32, #tpu.memory_space<hbm>>
    %dma_wait3A_184 = arith.constant 0 : i32
    %dma_wait3A_185 = arith.constant 0 : i32
    %dma_wait3A_186 = tpu.memref_slice %arg4[%add3A_174, %dma_wait3A_184, %dma_wait3A_185] : memref<6400x128x128xf32, #tpu.memory_space<hbm>> -> memref<1x128x128xf32, #tpu.memory_space<hbm>>
    %dma_wait3A_187 = tpu.memref_squeeze %dma_wait3A_186 : memref<1x128x128xf32, #tpu.memory_space<hbm>> -> memref<128x128xf32, #tpu.memory_space<hbm>>
    %dma_wait3A_188 = arith.constant 0 : i32
    %dma_wait3A_189 = arith.constant 0 : i32
    %dma_wait3A_190 = tpu.memref_slice %arg6[%dma_wait3A_175, %dma_wait3A_188, %dma_wait3A_189] : memref<4x128x128xf32, #tpu.memory_space<vmem>> -> memref<1x128x128xf32, #tpu.memory_space<vmem>>
    %dma_wait3A_191 = tpu.memref_squeeze %dma_wait3A_190 : memref<1x128x128xf32, #tpu.memory_space<vmem>> -> memref<128x128xf32, #tpu.memory_space<vmem>>
    tpu.wait_dma2 semaphore(%arg12 : memref<!tpu.dma_semaphore, #tpu.memory_space<semaphore_mem>>) src(%dma_wait3A_191 : memref<128x128xf32, #tpu.memory_space<vmem>>) dst(%dma_wait3A_187 : memref<128x128xf32, #tpu.memory_space<hbm>>)
    %dma_start3A_192 = arith.constant 5 : i32
    %dma_start3A_193 = arith.constant 1 : i32
    %dma_start3A_194 = arith.constant 0 : i32
    %dma_start3A_195 = arith.constant 0 : i32
    %dma_start3A_196 = tpu.memref_slice %arg6[%dma_start3A_193, %dma_start3A_194, %dma_start3A_195] : memref<4x128x128xf32, #tpu.memory_space<vmem>> -> memref<1x128x128xf32, #tpu.memory_space<vmem>>
    %dma_start3A_197 = tpu.memref_squeeze %dma_start3A_196 : memref<1x128x128xf32, #tpu.memory_space<vmem>> -> memref<128x128xf32, #tpu.memory_space<vmem>>
    %dma_start3A_198 = arith.constant 0 : i32
    %dma_start3A_199 = tpu.memref_slice %arg5[%dma_start3A_192, %dma_start3A_198] : memref<200x128xi32, #tpu.memory_space<vmem>> -> memref<1x128xi32, #tpu.memory_space<vmem>>
    %dma_start3A_200 = tpu.memref_squeeze %dma_start3A_199 : memref<1x128xi32, #tpu.memory_space<vmem>> -> memref<128xi32, #tpu.memory_space<vmem>>
    %dma_start3A_201 = arith.constant 0 : i32
    %dma_start3A_202 = arith.constant 0 : i32
    %dma_start3A_203 = tpu.memref_slice %arg3[%dma_start3A_201, %dma_start3A_202] : memref<1000000x128xf32, #tpu.memory_space<hbm>> -> memref<1000000x128xf32, #tpu.memory_space<hbm>>
    tpu.enqueue_indirect_dma source(%dma_start3A_203 : memref<1000000x128xf32, #tpu.memory_space<hbm>>) target(%dma_start3A_197 : memref<128x128xf32, #tpu.memory_space<vmem>>) offsets(%dma_start3A_200 : memref<128xi32, #tpu.memory_space<vmem>>) semaphore(%arg8 : memref<!tpu.dma_semaphore, #tpu.memory_space<semaphore_mem>>)
    %dma_wait3A_204 = arith.constant 3 : i32
    %dma_wait3A_205 = arith.constant 3 : i32
    %dma_wait3A_206 = arith.constant 0 : i32
    %dma_wait3A_207 = arith.constant 0 : i32
    %dma_wait3A_208 = tpu.memref_slice %arg6[%dma_wait3A_205, %dma_wait3A_206, %dma_wait3A_207] : memref<4x128x128xf32, #tpu.memory_space<vmem>> -> memref<1x128x128xf32, #tpu.memory_space<vmem>>
    %dma_wait3A_209 = tpu.memref_squeeze %dma_wait3A_208 : memref<1x128x128xf32, #tpu.memory_space<vmem>> -> memref<128x128xf32, #tpu.memory_space<vmem>>
    %dma_wait3A_210 = arith.constant 0 : i32
    %dma_wait3A_211 = tpu.memref_slice %arg5[%dma_wait3A_204, %dma_wait3A_210] : memref<200x128xi32, #tpu.memory_space<vmem>> -> memref<1x128xi32, #tpu.memory_space<vmem>>
    %dma_wait3A_212 = tpu.memref_squeeze %dma_wait3A_211 : memref<1x128xi32, #tpu.memory_space<vmem>> -> memref<128xi32, #tpu.memory_space<vmem>>
    %dma_wait3A_213 = arith.constant 0 : i32
    %dma_wait3A_214 = arith.constant 0 : i32
    %dma_wait3A_215 = tpu.memref_slice %arg3[%dma_wait3A_213, %dma_wait3A_214] : memref<1000000x128xf32, #tpu.memory_space<hbm>> -> memref<1000000x128xf32, #tpu.memory_space<hbm>>
    tpu.wait_indirect_dma semaphore(%arg10 : memref<!tpu.dma_semaphore, #tpu.memory_space<semaphore_mem>>) src(%dma_wait3A_215 : memref<1000000x128xf32, #tpu.memory_space<hbm>>) dst(%dma_wait3A_209 : memref<128x128xf32, #tpu.memory_space<vmem>>)
    %add3A_216 = arith.constant 3 : i32
    %add3A_217 = arith.addi %mul3A_2, %add3A_216 : i32
    %dma_start3A_218 = arith.constant 3 : i32
    %dma_start3A_219 = arith.constant 0 : i32
    %dma_start3A_220 = arith.constant 0 : i32
    %dma_start3A_221 = tpu.memref_slice %arg6[%dma_start3A_218, %dma_start3A_219, %dma_start3A_220] : memref<4x128x128xf32, #tpu.memory_space<vmem>> -> memref<1x128x128xf32, #tpu.memory_space<vmem>>
    %dma_start3A_222 = tpu.memref_squeeze %dma_start3A_221 : memref<1x128x128xf32, #tpu.memory_space<vmem>> -> memref<128x128xf32, #tpu.memory_space<vmem>>
    %dma_start3A_223 = arith.constant 0 : i32
    %dma_start3A_224 = arith.constant 0 : i32
    %dma_start3A_225 = tpu.memref_slice %arg4[%add3A_217, %dma_start3A_223, %dma_start3A_224] : memref<6400x128x128xf32, #tpu.memory_space<hbm>> -> memref<1x128x128xf32, #tpu.memory_space<hbm>>
    %dma_start3A_226 = tpu.memref_squeeze %dma_start3A_225 : memref<1x128x128xf32, #tpu.memory_space<hbm>> -> memref<128x128xf32, #tpu.memory_space<hbm>>
    %dma_start3A_227 = arith.constant 0 : i32
    %dma_start3A_228 = arith.constant 0 : i32
    %dma_start3A_229 = tpu.memref_slice %arg4[%add3A_217, %dma_start3A_227, %dma_start3A_228] : memref<6400x128x128xf32, #tpu.memory_space<hbm>> -> memref<1x128x128xf32, #tpu.memory_space<hbm>>
    %dma_start3A_230 = tpu.memref_squeeze %dma_start3A_229 : memref<1x128x128xf32, #tpu.memory_space<hbm>> -> memref<128x128xf32, #tpu.memory_space<hbm>>
    %dma_start3A_231 = arith.constant 0 : i32
    %dma_start3A_232 = arith.constant 0 : i32
    %dma_start3A_233 = tpu.memref_slice %arg6[%dma_start3A_218, %dma_start3A_231, %dma_start3A_232] : memref<4x128x128xf32, #tpu.memory_space<vmem>> -> memref<1x128x128xf32, #tpu.memory_space<vmem>>
    %dma_start3A_234 = tpu.memref_squeeze %dma_start3A_233 : memref<1x128x128xf32, #tpu.memory_space<vmem>> -> memref<128x128xf32, #tpu.memory_space<vmem>>
    tpu.enqueue_dma source(%dma_start3A_234 : memref<128x128xf32, #tpu.memory_space<vmem>>) target(%dma_start3A_230 : memref<128x128xf32, #tpu.memory_space<hbm>>) target_semaphore(%arg14 : memref<!tpu.dma_semaphore, #tpu.memory_space<semaphore_mem>>)
    %add3A_235 = arith.constant 2 : i32
    %add3A_236 = arith.addi %mul3A_2, %add3A_235 : i32
    %dma_wait3A_237 = arith.constant 2 : i32
    %dma_wait3A_238 = arith.constant 0 : i32
    %dma_wait3A_239 = arith.constant 0 : i32
    %dma_wait3A_240 = tpu.memref_slice %arg6[%dma_wait3A_237, %dma_wait3A_238, %dma_wait3A_239] : memref<4x128x128xf32, #tpu.memory_space<vmem>> -> memref<1x128x128xf32, #tpu.memory_space<vmem>>
    %dma_wait3A_241 = tpu.memref_squeeze %dma_wait3A_240 : memref<1x128x128xf32, #tpu.memory_space<vmem>> -> memref<128x128xf32, #tpu.memory_space<vmem>>
    %dma_wait3A_242 = arith.constant 0 : i32
    %dma_wait3A_243 = arith.constant 0 : i32
    %dma_wait3A_244 = tpu.memref_slice %arg4[%add3A_236, %dma_wait3A_242, %dma_wait3A_243] : memref<6400x128x128xf32, #tpu.memory_space<hbm>> -> memref<1x128x128xf32, #tpu.memory_space<hbm>>
    %dma_wait3A_245 = tpu.memref_squeeze %dma_wait3A_244 : memref<1x128x128xf32, #tpu.memory_space<hbm>> -> memref<128x128xf32, #tpu.memory_space<hbm>>
    %dma_wait3A_246 = arith.constant 0 : i32
    %dma_wait3A_247 = arith.constant 0 : i32
    %dma_wait3A_248 = tpu.memref_slice %arg4[%add3A_236, %dma_wait3A_246, %dma_wait3A_247] : memref<6400x128x128xf32, #tpu.memory_space<hbm>> -> memref<1x128x128xf32, #tpu.memory_space<hbm>>
    %dma_wait3A_249 = tpu.memref_squeeze %dma_wait3A_248 : memref<1x128x128xf32, #tpu.memory_space<hbm>> -> memref<128x128xf32, #tpu.memory_space<hbm>>
    %dma_wait3A_250 = arith.constant 0 : i32
    %dma_wait3A_251 = arith.constant 0 : i32
    %dma_wait3A_252 = tpu.memref_slice %arg6[%dma_wait3A_237, %dma_wait3A_250, %dma_wait3A_251] : memref<4x128x128xf32, #tpu.memory_space<vmem>> -> memref<1x128x128xf32, #tpu.memory_space<vmem>>
    %dma_wait3A_253 = tpu.memref_squeeze %dma_wait3A_252 : memref<1x128x128xf32, #tpu.memory_space<vmem>> -> memref<128x128xf32, #tpu.memory_space<vmem>>
    tpu.wait_dma2 semaphore(%arg13 : memref<!tpu.dma_semaphore, #tpu.memory_space<semaphore_mem>>) src(%dma_wait3A_253 : memref<128x128xf32, #tpu.memory_space<vmem>>) dst(%dma_wait3A_249 : memref<128x128xf32, #tpu.memory_space<hbm>>)
    %dma_start3A_254 = arith.constant 6 : i32
    %dma_start3A_255 = arith.constant 2 : i32
    %dma_start3A_256 = arith.constant 0 : i32
    %dma_start3A_257 = arith.constant 0 : i32
    %dma_start3A_258 = tpu.memref_slice %arg6[%dma_start3A_255, %dma_start3A_256, %dma_start3A_257] : memref<4x128x128xf32, #tpu.memory_space<vmem>> -> memref<1x128x128xf32, #tpu.memory_space<vmem>>
    %dma_start3A_259 = tpu.memref_squeeze %dma_start3A_258 : memref<1x128x128xf32, #tpu.memory_space<vmem>> -> memref<128x128xf32, #tpu.memory_space<vmem>>
    %dma_start3A_260 = arith.constant 0 : i32
    %dma_start3A_261 = tpu.memref_slice %arg5[%dma_start3A_254, %dma_start3A_260] : memref<200x128xi32, #tpu.memory_space<vmem>> -> memref<1x128xi32, #tpu.memory_space<vmem>>
    %dma_start3A_262 = tpu.memref_squeeze %dma_start3A_261 : memref<1x128xi32, #tpu.memory_space<vmem>> -> memref<128xi32, #tpu.memory_space<vmem>>
    %dma_start3A_263 = arith.constant 0 : i32
    %dma_start3A_264 = arith.constant 0 : i32
    %dma_start3A_265 = tpu.memref_slice %arg3[%dma_start3A_263, %dma_start3A_264] : memref<1000000x128xf32, #tpu.memory_space<hbm>> -> memref<1000000x128xf32, #tpu.memory_space<hbm>>
    tpu.enqueue_indirect_dma source(%dma_start3A_265 : memref<1000000x128xf32, #tpu.memory_space<hbm>>) target(%dma_start3A_259 : memref<128x128xf32, #tpu.memory_space<vmem>>) offsets(%dma_start3A_262 : memref<128xi32, #tpu.memory_space<vmem>>) semaphore(%arg9 : memref<!tpu.dma_semaphore, #tpu.memory_space<semaphore_mem>>)
    %scan3A = arith.constant 0 : i32
    %scan3A_266 = arith.constant 1 : i32
    %scan3A_267 = arith.constant 48 : i32
    %scan3A_268 = arith.addi %scan3A_266, %scan3A_267 : i32
    %scan3A_269 = arith.constant 1 : i32
    scf.for %scan3A_502 = %scan3A_266 to %scan3A_268 step %scan3A_269  : i32 {
      %mul3A_503 = arith.constant 4 : i32
      %mul3A_504 = arith.muli %scan3A_502, %mul3A_503 : i32
      %add3A_505 = arith.constant 0 : i32
      %add3A_506 = arith.addi %mul3A_504, %add3A_505 : i32
      %dma_wait3A_507 = arith.constant 0 : i32
      %dma_wait3A_508 = arith.constant 0 : i32
      %dma_wait3A_509 = arith.constant 0 : i32
      %dma_wait3A_510 = tpu.memref_slice %arg6[%dma_wait3A_507, %dma_wait3A_508, %dma_wait3A_509] : memref<4x128x128xf32, #tpu.memory_space<vmem>> -> memref<1x128x128xf32, #tpu.memory_space<vmem>>
      %dma_wait3A_511 = tpu.memref_squeeze %dma_wait3A_510 : memref<1x128x128xf32, #tpu.memory_space<vmem>> -> memref<128x128xf32, #tpu.memory_space<vmem>>
      %dma_wait3A_512 = arith.constant 0 : i32
      %dma_wait3A_513 = tpu.memref_slice %arg5[%add3A_506, %dma_wait3A_512] : memref<200x128xi32, #tpu.memory_space<vmem>> -> memref<1x128xi32, #tpu.memory_space<vmem>>
      %dma_wait3A_514 = tpu.memref_squeeze %dma_wait3A_513 : memref<1x128xi32, #tpu.memory_space<vmem>> -> memref<128xi32, #tpu.memory_space<vmem>>
      %dma_wait3A_515 = arith.constant 0 : i32
      %dma_wait3A_516 = arith.constant 0 : i32
      %dma_wait3A_517 = tpu.memref_slice %arg3[%dma_wait3A_515, %dma_wait3A_516] : memref<1000000x128xf32, #tpu.memory_space<hbm>> -> memref<1000000x128xf32, #tpu.memory_space<hbm>>
      tpu.wait_indirect_dma semaphore(%arg7 : memref<!tpu.dma_semaphore, #tpu.memory_space<semaphore_mem>>) src(%dma_wait3A_517 : memref<1000000x128xf32, #tpu.memory_space<hbm>>) dst(%dma_wait3A_511 : memref<128x128xf32, #tpu.memory_space<vmem>>)
      %add3A_518 = arith.addi %mul3A_2, %add3A_506 : i32
      %dma_start3A_519 = arith.constant 0 : i32
      %dma_start3A_520 = arith.constant 0 : i32
      %dma_start3A_521 = arith.constant 0 : i32
      %dma_start3A_522 = tpu.memref_slice %arg6[%dma_start3A_519, %dma_start3A_520, %dma_start3A_521] : memref<4x128x128xf32, #tpu.memory_space<vmem>> -> memref<1x128x128xf32, #tpu.memory_space<vmem>>
      %dma_start3A_523 = tpu.memref_squeeze %dma_start3A_522 : memref<1x128x128xf32, #tpu.memory_space<vmem>> -> memref<128x128xf32, #tpu.memory_space<vmem>>
      %dma_start3A_524 = arith.constant 0 : i32
      %dma_start3A_525 = arith.constant 0 : i32
      %dma_start3A_526 = tpu.memref_slice %arg4[%add3A_518, %dma_start3A_524, %dma_start3A_525] : memref<6400x128x128xf32, #tpu.memory_space<hbm>> -> memref<1x128x128xf32, #tpu.memory_space<hbm>>
      %dma_start3A_527 = tpu.memref_squeeze %dma_start3A_526 : memref<1x128x128xf32, #tpu.memory_space<hbm>> -> memref<128x128xf32, #tpu.memory_space<hbm>>
      %dma_start3A_528 = arith.constant 0 : i32
      %dma_start3A_529 = arith.constant 0 : i32
      %dma_start3A_530 = tpu.memref_slice %arg4[%add3A_518, %dma_start3A_528, %dma_start3A_529] : memref<6400x128x128xf32, #tpu.memory_space<hbm>> -> memref<1x128x128xf32, #tpu.memory_space<hbm>>
      %dma_start3A_531 = tpu.memref_squeeze %dma_start3A_530 : memref<1x128x128xf32, #tpu.memory_space<hbm>> -> memref<128x128xf32, #tpu.memory_space<hbm>>
      %dma_start3A_532 = arith.constant 0 : i32
      %dma_start3A_533 = arith.constant 0 : i32
      %dma_start3A_534 = tpu.memref_slice %arg6[%dma_start3A_519, %dma_start3A_532, %dma_start3A_533] : memref<4x128x128xf32, #tpu.memory_space<vmem>> -> memref<1x128x128xf32, #tpu.memory_space<vmem>>
      %dma_start3A_535 = tpu.memref_squeeze %dma_start3A_534 : memref<1x128x128xf32, #tpu.memory_space<vmem>> -> memref<128x128xf32, #tpu.memory_space<vmem>>
      tpu.enqueue_dma source(%dma_start3A_535 : memref<128x128xf32, #tpu.memory_space<vmem>>) target(%dma_start3A_531 : memref<128x128xf32, #tpu.memory_space<hbm>>) target_semaphore(%arg11 : memref<!tpu.dma_semaphore, #tpu.memory_space<semaphore_mem>>)
      %sub3A = arith.constant 1 : i32
      %sub3A_536 = arith.subi %add3A_506, %sub3A : i32
      %add3A_537 = arith.addi %mul3A_2, %sub3A_536 : i32
      %dma_wait3A_538 = arith.constant 3 : i32
      %dma_wait3A_539 = arith.constant 0 : i32
      %dma_wait3A_540 = arith.constant 0 : i32
      %dma_wait3A_541 = tpu.memref_slice %arg6[%dma_wait3A_538, %dma_wait3A_539, %dma_wait3A_540] : memref<4x128x128xf32, #tpu.memory_space<vmem>> -> memref<1x128x128xf32, #tpu.memory_space<vmem>>
      %dma_wait3A_542 = tpu.memref_squeeze %dma_wait3A_541 : memref<1x128x128xf32, #tpu.memory_space<vmem>> -> memref<128x128xf32, #tpu.memory_space<vmem>>
      %dma_wait3A_543 = arith.constant 0 : i32
      %dma_wait3A_544 = arith.constant 0 : i32
      %dma_wait3A_545 = tpu.memref_slice %arg4[%add3A_537, %dma_wait3A_543, %dma_wait3A_544] : memref<6400x128x128xf32, #tpu.memory_space<hbm>> -> memref<1x128x128xf32, #tpu.memory_space<hbm>>
      %dma_wait3A_546 = tpu.memref_squeeze %dma_wait3A_545 : memref<1x128x128xf32, #tpu.memory_space<hbm>> -> memref<128x128xf32, #tpu.memory_space<hbm>>
      %dma_wait3A_547 = arith.constant 0 : i32
      %dma_wait3A_548 = arith.constant 0 : i32
      %dma_wait3A_549 = tpu.memref_slice %arg4[%add3A_537, %dma_wait3A_547, %dma_wait3A_548] : memref<6400x128x128xf32, #tpu.memory_space<hbm>> -> memref<1x128x128xf32, #tpu.memory_space<hbm>>
      %dma_wait3A_550 = tpu.memref_squeeze %dma_wait3A_549 : memref<1x128x128xf32, #tpu.memory_space<hbm>> -> memref<128x128xf32, #tpu.memory_space<hbm>>
      %dma_wait3A_551 = arith.constant 0 : i32
      %dma_wait3A_552 = arith.constant 0 : i32
      %dma_wait3A_553 = tpu.memref_slice %arg6[%dma_wait3A_538, %dma_wait3A_551, %dma_wait3A_552] : memref<4x128x128xf32, #tpu.memory_space<vmem>> -> memref<1x128x128xf32, #tpu.memory_space<vmem>>
      %dma_wait3A_554 = tpu.memref_squeeze %dma_wait3A_553 : memref<1x128x128xf32, #tpu.memory_space<vmem>> -> memref<128x128xf32, #tpu.memory_space<vmem>>
      tpu.wait_dma2 semaphore(%arg14 : memref<!tpu.dma_semaphore, #tpu.memory_space<semaphore_mem>>) src(%dma_wait3A_554 : memref<128x128xf32, #tpu.memory_space<vmem>>) dst(%dma_wait3A_550 : memref<128x128xf32, #tpu.memory_space<hbm>>)
      %add3A_555 = arith.constant 4 : i32
      %add3A_556 = arith.addi %add3A_506, %add3A_555 : i32
      %sub3A_557 = arith.constant 1 : i32
      %sub3A_558 = arith.subi %add3A_556, %sub3A_557 : i32
      %dma_start3A_559 = arith.constant 3 : i32
      %dma_start3A_560 = arith.constant 0 : i32
      %dma_start3A_561 = arith.constant 0 : i32
      %dma_start3A_562 = tpu.memref_slice %arg6[%dma_start3A_559, %dma_start3A_560, %dma_start3A_561] : memref<4x128x128xf32, #tpu.memory_space<vmem>> -> memref<1x128x128xf32, #tpu.memory_space<vmem>>
      %dma_start3A_563 = tpu.memref_squeeze %dma_start3A_562 : memref<1x128x128xf32, #tpu.memory_space<vmem>> -> memref<128x128xf32, #tpu.memory_space<vmem>>
      %dma_start3A_564 = arith.constant 0 : i32
      %dma_start3A_565 = tpu.memref_slice %arg5[%sub3A_558, %dma_start3A_564] : memref<200x128xi32, #tpu.memory_space<vmem>> -> memref<1x128xi32, #tpu.memory_space<vmem>>
      %dma_start3A_566 = tpu.memref_squeeze %dma_start3A_565 : memref<1x128xi32, #tpu.memory_space<vmem>> -> memref<128xi32, #tpu.memory_space<vmem>>
      %dma_start3A_567 = arith.constant 0 : i32
      %dma_start3A_568 = arith.constant 0 : i32
      %dma_start3A_569 = tpu.memref_slice %arg3[%dma_start3A_567, %dma_start3A_568] : memref<1000000x128xf32, #tpu.memory_space<hbm>> -> memref<1000000x128xf32, #tpu.memory_space<hbm>>
      tpu.enqueue_indirect_dma source(%dma_start3A_569 : memref<1000000x128xf32, #tpu.memory_space<hbm>>) target(%dma_start3A_563 : memref<128x128xf32, #tpu.memory_space<vmem>>) offsets(%dma_start3A_566 : memref<128xi32, #tpu.memory_space<vmem>>) semaphore(%arg10 : memref<!tpu.dma_semaphore, #tpu.memory_space<semaphore_mem>>)
      %mul3A_570 = arith.constant 4 : i32
      %mul3A_571 = arith.muli %scan3A_502, %mul3A_570 : i32
      %add3A_572 = arith.constant 1 : i32
      %add3A_573 = arith.addi %mul3A_571, %add3A_572 : i32
      %dma_wait3A_574 = arith.constant 1 : i32
      %dma_wait3A_575 = arith.constant 0 : i32
      %dma_wait3A_576 = arith.constant 0 : i32
      %dma_wait3A_577 = tpu.memref_slice %arg6[%dma_wait3A_574, %dma_wait3A_575, %dma_wait3A_576] : memref<4x128x128xf32, #tpu.memory_space<vmem>> -> memref<1x128x128xf32, #tpu.memory_space<vmem>>
      %dma_wait3A_578 = tpu.memref_squeeze %dma_wait3A_577 : memref<1x128x128xf32, #tpu.memory_space<vmem>> -> memref<128x128xf32, #tpu.memory_space<vmem>>
      %dma_wait3A_579 = arith.constant 0 : i32
      %dma_wait3A_580 = tpu.memref_slice %arg5[%add3A_573, %dma_wait3A_579] : memref<200x128xi32, #tpu.memory_space<vmem>> -> memref<1x128xi32, #tpu.memory_space<vmem>>
      %dma_wait3A_581 = tpu.memref_squeeze %dma_wait3A_580 : memref<1x128xi32, #tpu.memory_space<vmem>> -> memref<128xi32, #tpu.memory_space<vmem>>
      %dma_wait3A_582 = arith.constant 0 : i32
      %dma_wait3A_583 = arith.constant 0 : i32
      %dma_wait3A_584 = tpu.memref_slice %arg3[%dma_wait3A_582, %dma_wait3A_583] : memref<1000000x128xf32, #tpu.memory_space<hbm>> -> memref<1000000x128xf32, #tpu.memory_space<hbm>>
      tpu.wait_indirect_dma semaphore(%arg8 : memref<!tpu.dma_semaphore, #tpu.memory_space<semaphore_mem>>) src(%dma_wait3A_584 : memref<1000000x128xf32, #tpu.memory_space<hbm>>) dst(%dma_wait3A_578 : memref<128x128xf32, #tpu.memory_space<vmem>>)
      %add3A_585 = arith.addi %mul3A_2, %add3A_573 : i32
      %dma_start3A_586 = arith.constant 1 : i32
      %dma_start3A_587 = arith.constant 0 : i32
      %dma_start3A_588 = arith.constant 0 : i32
      %dma_start3A_589 = tpu.memref_slice %arg6[%dma_start3A_586, %dma_start3A_587, %dma_start3A_588] : memref<4x128x128xf32, #tpu.memory_space<vmem>> -> memref<1x128x128xf32, #tpu.memory_space<vmem>>
      %dma_start3A_590 = tpu.memref_squeeze %dma_start3A_589 : memref<1x128x128xf32, #tpu.memory_space<vmem>> -> memref<128x128xf32, #tpu.memory_space<vmem>>
      %dma_start3A_591 = arith.constant 0 : i32
      %dma_start3A_592 = arith.constant 0 : i32
      %dma_start3A_593 = tpu.memref_slice %arg4[%add3A_585, %dma_start3A_591, %dma_start3A_592] : memref<6400x128x128xf32, #tpu.memory_space<hbm>> -> memref<1x128x128xf32, #tpu.memory_space<hbm>>
      %dma_start3A_594 = tpu.memref_squeeze %dma_start3A_593 : memref<1x128x128xf32, #tpu.memory_space<hbm>> -> memref<128x128xf32, #tpu.memory_space<hbm>>
      %dma_start3A_595 = arith.constant 0 : i32
      %dma_start3A_596 = arith.constant 0 : i32
      %dma_start3A_597 = tpu.memref_slice %arg4[%add3A_585, %dma_start3A_595, %dma_start3A_596] : memref<6400x128x128xf32, #tpu.memory_space<hbm>> -> memref<1x128x128xf32, #tpu.memory_space<hbm>>
      %dma_start3A_598 = tpu.memref_squeeze %dma_start3A_597 : memref<1x128x128xf32, #tpu.memory_space<hbm>> -> memref<128x128xf32, #tpu.memory_space<hbm>>
      %dma_start3A_599 = arith.constant 0 : i32
      %dma_start3A_600 = arith.constant 0 : i32
      %dma_start3A_601 = tpu.memref_slice %arg6[%dma_start3A_586, %dma_start3A_599, %dma_start3A_600] : memref<4x128x128xf32, #tpu.memory_space<vmem>> -> memref<1x128x128xf32, #tpu.memory_space<vmem>>
      %dma_start3A_602 = tpu.memref_squeeze %dma_start3A_601 : memref<1x128x128xf32, #tpu.memory_space<vmem>> -> memref<128x128xf32, #tpu.memory_space<vmem>>
      tpu.enqueue_dma source(%dma_start3A_602 : memref<128x128xf32, #tpu.memory_space<vmem>>) target(%dma_start3A_598 : memref<128x128xf32, #tpu.memory_space<hbm>>) target_semaphore(%arg12 : memref<!tpu.dma_semaphore, #tpu.memory_space<semaphore_mem>>)
      %sub3A_603 = arith.constant 1 : i32
      %sub3A_604 = arith.subi %add3A_573, %sub3A_603 : i32
      %add3A_605 = arith.addi %mul3A_2, %sub3A_604 : i32
      %dma_wait3A_606 = arith.constant 0 : i32
      %dma_wait3A_607 = arith.constant 0 : i32
      %dma_wait3A_608 = arith.constant 0 : i32
      %dma_wait3A_609 = tpu.memref_slice %arg6[%dma_wait3A_606, %dma_wait3A_607, %dma_wait3A_608] : memref<4x128x128xf32, #tpu.memory_space<vmem>> -> memref<1x128x128xf32, #tpu.memory_space<vmem>>
      %dma_wait3A_610 = tpu.memref_squeeze %dma_wait3A_609 : memref<1x128x128xf32, #tpu.memory_space<vmem>> -> memref<128x128xf32, #tpu.memory_space<vmem>>
      %dma_wait3A_611 = arith.constant 0 : i32
      %dma_wait3A_612 = arith.constant 0 : i32
      %dma_wait3A_613 = tpu.memref_slice %arg4[%add3A_605, %dma_wait3A_611, %dma_wait3A_612] : memref<6400x128x128xf32, #tpu.memory_space<hbm>> -> memref<1x128x128xf32, #tpu.memory_space<hbm>>
      %dma_wait3A_614 = tpu.memref_squeeze %dma_wait3A_613 : memref<1x128x128xf32, #tpu.memory_space<hbm>> -> memref<128x128xf32, #tpu.memory_space<hbm>>
      %dma_wait3A_615 = arith.constant 0 : i32
      %dma_wait3A_616 = arith.constant 0 : i32
      %dma_wait3A_617 = tpu.memref_slice %arg4[%add3A_605, %dma_wait3A_615, %dma_wait3A_616] : memref<6400x128x128xf32, #tpu.memory_space<hbm>> -> memref<1x128x128xf32, #tpu.memory_space<hbm>>
      %dma_wait3A_618 = tpu.memref_squeeze %dma_wait3A_617 : memref<1x128x128xf32, #tpu.memory_space<hbm>> -> memref<128x128xf32, #tpu.memory_space<hbm>>
      %dma_wait3A_619 = arith.constant 0 : i32
      %dma_wait3A_620 = arith.constant 0 : i32
      %dma_wait3A_621 = tpu.memref_slice %arg6[%dma_wait3A_606, %dma_wait3A_619, %dma_wait3A_620] : memref<4x128x128xf32, #tpu.memory_space<vmem>> -> memref<1x128x128xf32, #tpu.memory_space<vmem>>
      %dma_wait3A_622 = tpu.memref_squeeze %dma_wait3A_621 : memref<1x128x128xf32, #tpu.memory_space<vmem>> -> memref<128x128xf32, #tpu.memory_space<vmem>>
      tpu.wait_dma2 semaphore(%arg11 : memref<!tpu.dma_semaphore, #tpu.memory_space<semaphore_mem>>) src(%dma_wait3A_622 : memref<128x128xf32, #tpu.memory_space<vmem>>) dst(%dma_wait3A_618 : memref<128x128xf32, #tpu.memory_space<hbm>>)
      %add3A_623 = arith.constant 4 : i32
      %add3A_624 = arith.addi %add3A_573, %add3A_623 : i32
      %sub3A_625 = arith.constant 1 : i32
      %sub3A_626 = arith.subi %add3A_624, %sub3A_625 : i32
      %dma_start3A_627 = arith.constant 0 : i32
      %dma_start3A_628 = arith.constant 0 : i32
      %dma_start3A_629 = arith.constant 0 : i32
      %dma_start3A_630 = tpu.memref_slice %arg6[%dma_start3A_627, %dma_start3A_628, %dma_start3A_629] : memref<4x128x128xf32, #tpu.memory_space<vmem>> -> memref<1x128x128xf32, #tpu.memory_space<vmem>>
      %dma_start3A_631 = tpu.memref_squeeze %dma_start3A_630 : memref<1x128x128xf32, #tpu.memory_space<vmem>> -> memref<128x128xf32, #tpu.memory_space<vmem>>
      %dma_start3A_632 = arith.constant 0 : i32
      %dma_start3A_633 = tpu.memref_slice %arg5[%sub3A_626, %dma_start3A_632] : memref<200x128xi32, #tpu.memory_space<vmem>> -> memref<1x128xi32, #tpu.memory_space<vmem>>
      %dma_start3A_634 = tpu.memref_squeeze %dma_start3A_633 : memref<1x128xi32, #tpu.memory_space<vmem>> -> memref<128xi32, #tpu.memory_space<vmem>>
      %dma_start3A_635 = arith.constant 0 : i32
      %dma_start3A_636 = arith.constant 0 : i32
      %dma_start3A_637 = tpu.memref_slice %arg3[%dma_start3A_635, %dma_start3A_636] : memref<1000000x128xf32, #tpu.memory_space<hbm>> -> memref<1000000x128xf32, #tpu.memory_space<hbm>>
      tpu.enqueue_indirect_dma source(%dma_start3A_637 : memref<1000000x128xf32, #tpu.memory_space<hbm>>) target(%dma_start3A_631 : memref<128x128xf32, #tpu.memory_space<vmem>>) offsets(%dma_start3A_634 : memref<128xi32, #tpu.memory_space<vmem>>) semaphore(%arg7 : memref<!tpu.dma_semaphore, #tpu.memory_space<semaphore_mem>>)
      %mul3A_638 = arith.constant 4 : i32
      %mul3A_639 = arith.muli %scan3A_502, %mul3A_638 : i32
      %add3A_640 = arith.constant 2 : i32
      %add3A_641 = arith.addi %mul3A_639, %add3A_640 : i32
      %dma_wait3A_642 = arith.constant 2 : i32
      %dma_wait3A_643 = arith.constant 0 : i32
      %dma_wait3A_644 = arith.constant 0 : i32
      %dma_wait3A_645 = tpu.memref_slice %arg6[%dma_wait3A_642, %dma_wait3A_643, %dma_wait3A_644] : memref<4x128x128xf32, #tpu.memory_space<vmem>> -> memref<1x128x128xf32, #tpu.memory_space<vmem>>
      %dma_wait3A_646 = tpu.memref_squeeze %dma_wait3A_645 : memref<1x128x128xf32, #tpu.memory_space<vmem>> -> memref<128x128xf32, #tpu.memory_space<vmem>>
      %dma_wait3A_647 = arith.constant 0 : i32
      %dma_wait3A_648 = tpu.memref_slice %arg5[%add3A_641, %dma_wait3A_647] : memref<200x128xi32, #tpu.memory_space<vmem>> -> memref<1x128xi32, #tpu.memory_space<vmem>>
      %dma_wait3A_649 = tpu.memref_squeeze %dma_wait3A_648 : memref<1x128xi32, #tpu.memory_space<vmem>> -> memref<128xi32, #tpu.memory_space<vmem>>
      %dma_wait3A_650 = arith.constant 0 : i32
      %dma_wait3A_651 = arith.constant 0 : i32
      %dma_wait3A_652 = tpu.memref_slice %arg3[%dma_wait3A_650, %dma_wait3A_651] : memref<1000000x128xf32, #tpu.memory_space<hbm>> -> memref<1000000x128xf32, #tpu.memory_space<hbm>>
      tpu.wait_indirect_dma semaphore(%arg9 : memref<!tpu.dma_semaphore, #tpu.memory_space<semaphore_mem>>) src(%dma_wait3A_652 : memref<1000000x128xf32, #tpu.memory_space<hbm>>) dst(%dma_wait3A_646 : memref<128x128xf32, #tpu.memory_space<vmem>>)
      %add3A_653 = arith.addi %mul3A_2, %add3A_641 : i32
      %dma_start3A_654 = arith.constant 2 : i32
      %dma_start3A_655 = arith.constant 0 : i32
      %dma_start3A_656 = arith.constant 0 : i32
      %dma_start3A_657 = tpu.memref_slice %arg6[%dma_start3A_654, %dma_start3A_655, %dma_start3A_656] : memref<4x128x128xf32, #tpu.memory_space<vmem>> -> memref<1x128x128xf32, #tpu.memory_space<vmem>>
      %dma_start3A_658 = tpu.memref_squeeze %dma_start3A_657 : memref<1x128x128xf32, #tpu.memory_space<vmem>> -> memref<128x128xf32, #tpu.memory_space<vmem>>
      %dma_start3A_659 = arith.constant 0 : i32
      %dma_start3A_660 = arith.constant 0 : i32
      %dma_start3A_661 = tpu.memref_slice %arg4[%add3A_653, %dma_start3A_659, %dma_start3A_660] : memref<6400x128x128xf32, #tpu.memory_space<hbm>> -> memref<1x128x128xf32, #tpu.memory_space<hbm>>
      %dma_start3A_662 = tpu.memref_squeeze %dma_start3A_661 : memref<1x128x128xf32, #tpu.memory_space<hbm>> -> memref<128x128xf32, #tpu.memory_space<hbm>>
      %dma_start3A_663 = arith.constant 0 : i32
      %dma_start3A_664 = arith.constant 0 : i32
      %dma_start3A_665 = tpu.memref_slice %arg4[%add3A_653, %dma_start3A_663, %dma_start3A_664] : memref<6400x128x128xf32, #tpu.memory_space<hbm>> -> memref<1x128x128xf32, #tpu.memory_space<hbm>>
      %dma_start3A_666 = tpu.memref_squeeze %dma_start3A_665 : memref<1x128x128xf32, #tpu.memory_space<hbm>> -> memref<128x128xf32, #tpu.memory_space<hbm>>
      %dma_start3A_667 = arith.constant 0 : i32
      %dma_start3A_668 = arith.constant 0 : i32
      %dma_start3A_669 = tpu.memref_slice %arg6[%dma_start3A_654, %dma_start3A_667, %dma_start3A_668] : memref<4x128x128xf32, #tpu.memory_space<vmem>> -> memref<1x128x128xf32, #tpu.memory_space<vmem>>
      %dma_start3A_670 = tpu.memref_squeeze %dma_start3A_669 : memref<1x128x128xf32, #tpu.memory_space<vmem>> -> memref<128x128xf32, #tpu.memory_space<vmem>>
      tpu.enqueue_dma source(%dma_start3A_670 : memref<128x128xf32, #tpu.memory_space<vmem>>) target(%dma_start3A_666 : memref<128x128xf32, #tpu.memory_space<hbm>>) target_semaphore(%arg13 : memref<!tpu.dma_semaphore, #tpu.memory_space<semaphore_mem>>)
      %sub3A_671 = arith.constant 1 : i32
      %sub3A_672 = arith.subi %add3A_641, %sub3A_671 : i32
      %add3A_673 = arith.addi %mul3A_2, %sub3A_672 : i32
      %dma_wait3A_674 = arith.constant 1 : i32
      %dma_wait3A_675 = arith.constant 0 : i32
      %dma_wait3A_676 = arith.constant 0 : i32
      %dma_wait3A_677 = tpu.memref_slice %arg6[%dma_wait3A_674, %dma_wait3A_675, %dma_wait3A_676] : memref<4x128x128xf32, #tpu.memory_space<vmem>> -> memref<1x128x128xf32, #tpu.memory_space<vmem>>
      %dma_wait3A_678 = tpu.memref_squeeze %dma_wait3A_677 : memref<1x128x128xf32, #tpu.memory_space<vmem>> -> memref<128x128xf32, #tpu.memory_space<vmem>>
      %dma_wait3A_679 = arith.constant 0 : i32
      %dma_wait3A_680 = arith.constant 0 : i32
      %dma_wait3A_681 = tpu.memref_slice %arg4[%add3A_673, %dma_wait3A_679, %dma_wait3A_680] : memref<6400x128x128xf32, #tpu.memory_space<hbm>> -> memref<1x128x128xf32, #tpu.memory_space<hbm>>
      %dma_wait3A_682 = tpu.memref_squeeze %dma_wait3A_681 : memref<1x128x128xf32, #tpu.memory_space<hbm>> -> memref<128x128xf32, #tpu.memory_space<hbm>>
      %dma_wait3A_683 = arith.constant 0 : i32
      %dma_wait3A_684 = arith.constant 0 : i32
      %dma_wait3A_685 = tpu.memref_slice %arg4[%add3A_673, %dma_wait3A_683, %dma_wait3A_684] : memref<6400x128x128xf32, #tpu.memory_space<hbm>> -> memref<1x128x128xf32, #tpu.memory_space<hbm>>
      %dma_wait3A_686 = tpu.memref_squeeze %dma_wait3A_685 : memref<1x128x128xf32, #tpu.memory_space<hbm>> -> memref<128x128xf32, #tpu.memory_space<hbm>>
      %dma_wait3A_687 = arith.constant 0 : i32
      %dma_wait3A_688 = arith.constant 0 : i32
      %dma_wait3A_689 = tpu.memref_slice %arg6[%dma_wait3A_674, %dma_wait3A_687, %dma_wait3A_688] : memref<4x128x128xf32, #tpu.memory_space<vmem>> -> memref<1x128x128xf32, #tpu.memory_space<vmem>>
      %dma_wait3A_690 = tpu.memref_squeeze %dma_wait3A_689 : memref<1x128x128xf32, #tpu.memory_space<vmem>> -> memref<128x128xf32, #tpu.memory_space<vmem>>
      tpu.wait_dma2 semaphore(%arg12 : memref<!tpu.dma_semaphore, #tpu.memory_space<semaphore_mem>>) src(%dma_wait3A_690 : memref<128x128xf32, #tpu.memory_space<vmem>>) dst(%dma_wait3A_686 : memref<128x128xf32, #tpu.memory_space<hbm>>)
      %add3A_691 = arith.constant 4 : i32
      %add3A_692 = arith.addi %add3A_641, %add3A_691 : i32
      %sub3A_693 = arith.constant 1 : i32
      %sub3A_694 = arith.subi %add3A_692, %sub3A_693 : i32
      %dma_start3A_695 = arith.constant 1 : i32
      %dma_start3A_696 = arith.constant 0 : i32
      %dma_start3A_697 = arith.constant 0 : i32
      %dma_start3A_698 = tpu.memref_slice %arg6[%dma_start3A_695, %dma_start3A_696, %dma_start3A_697] : memref<4x128x128xf32, #tpu.memory_space<vmem>> -> memref<1x128x128xf32, #tpu.memory_space<vmem>>
      %dma_start3A_699 = tpu.memref_squeeze %dma_start3A_698 : memref<1x128x128xf32, #tpu.memory_space<vmem>> -> memref<128x128xf32, #tpu.memory_space<vmem>>
      %dma_start3A_700 = arith.constant 0 : i32
      %dma_start3A_701 = tpu.memref_slice %arg5[%sub3A_694, %dma_start3A_700] : memref<200x128xi32, #tpu.memory_space<vmem>> -> memref<1x128xi32, #tpu.memory_space<vmem>>
      %dma_start3A_702 = tpu.memref_squeeze %dma_start3A_701 : memref<1x128xi32, #tpu.memory_space<vmem>> -> memref<128xi32, #tpu.memory_space<vmem>>
      %dma_start3A_703 = arith.constant 0 : i32
      %dma_start3A_704 = arith.constant 0 : i32
      %dma_start3A_705 = tpu.memref_slice %arg3[%dma_start3A_703, %dma_start3A_704] : memref<1000000x128xf32, #tpu.memory_space<hbm>> -> memref<1000000x128xf32, #tpu.memory_space<hbm>>
      tpu.enqueue_indirect_dma source(%dma_start3A_705 : memref<1000000x128xf32, #tpu.memory_space<hbm>>) target(%dma_start3A_699 : memref<128x128xf32, #tpu.memory_space<vmem>>) offsets(%dma_start3A_702 : memref<128xi32, #tpu.memory_space<vmem>>) semaphore(%arg8 : memref<!tpu.dma_semaphore, #tpu.memory_space<semaphore_mem>>)
      %mul3A_706 = arith.constant 4 : i32
      %mul3A_707 = arith.muli %scan3A_502, %mul3A_706 : i32
      %add3A_708 = arith.constant 3 : i32
      %add3A_709 = arith.addi %mul3A_707, %add3A_708 : i32
      %dma_wait3A_710 = arith.constant 3 : i32
      %dma_wait3A_711 = arith.constant 0 : i32
      %dma_wait3A_712 = arith.constant 0 : i32
      %dma_wait3A_713 = tpu.memref_slice %arg6[%dma_wait3A_710, %dma_wait3A_711, %dma_wait3A_712] : memref<4x128x128xf32, #tpu.memory_space<vmem>> -> memref<1x128x128xf32, #tpu.memory_space<vmem>>
      %dma_wait3A_714 = tpu.memref_squeeze %dma_wait3A_713 : memref<1x128x128xf32, #tpu.memory_space<vmem>> -> memref<128x128xf32, #tpu.memory_space<vmem>>
      %dma_wait3A_715 = arith.constant 0 : i32
      %dma_wait3A_716 = tpu.memref_slice %arg5[%add3A_709, %dma_wait3A_715] : memref<200x128xi32, #tpu.memory_space<vmem>> -> memref<1x128xi32, #tpu.memory_space<vmem>>
      %dma_wait3A_717 = tpu.memref_squeeze %dma_wait3A_716 : memref<1x128xi32, #tpu.memory_space<vmem>> -> memref<128xi32, #tpu.memory_space<vmem>>
      %dma_wait3A_718 = arith.constant 0 : i32
      %dma_wait3A_719 = arith.constant 0 : i32
      %dma_wait3A_720 = tpu.memref_slice %arg3[%dma_wait3A_718, %dma_wait3A_719] : memref<1000000x128xf32, #tpu.memory_space<hbm>> -> memref<1000000x128xf32, #tpu.memory_space<hbm>>
      tpu.wait_indirect_dma semaphore(%arg10 : memref<!tpu.dma_semaphore, #tpu.memory_space<semaphore_mem>>) src(%dma_wait3A_720 : memref<1000000x128xf32, #tpu.memory_space<hbm>>) dst(%dma_wait3A_714 : memref<128x128xf32, #tpu.memory_space<vmem>>)
      %add3A_721 = arith.addi %mul3A_2, %add3A_709 : i32
      %dma_start3A_722 = arith.constant 3 : i32
      %dma_start3A_723 = arith.constant 0 : i32
      %dma_start3A_724 = arith.constant 0 : i32
      %dma_start3A_725 = tpu.memref_slice %arg6[%dma_start3A_722, %dma_start3A_723, %dma_start3A_724] : memref<4x128x128xf32, #tpu.memory_space<vmem>> -> memref<1x128x128xf32, #tpu.memory_space<vmem>>
      %dma_start3A_726 = tpu.memref_squeeze %dma_start3A_725 : memref<1x128x128xf32, #tpu.memory_space<vmem>> -> memref<128x128xf32, #tpu.memory_space<vmem>>
      %dma_start3A_727 = arith.constant 0 : i32
      %dma_start3A_728 = arith.constant 0 : i32
      %dma_start3A_729 = tpu.memref_slice %arg4[%add3A_721, %dma_start3A_727, %dma_start3A_728] : memref<6400x128x128xf32, #tpu.memory_space<hbm>> -> memref<1x128x128xf32, #tpu.memory_space<hbm>>
      %dma_start3A_730 = tpu.memref_squeeze %dma_start3A_729 : memref<1x128x128xf32, #tpu.memory_space<hbm>> -> memref<128x128xf32, #tpu.memory_space<hbm>>
      %dma_start3A_731 = arith.constant 0 : i32
      %dma_start3A_732 = arith.constant 0 : i32
      %dma_start3A_733 = tpu.memref_slice %arg4[%add3A_721, %dma_start3A_731, %dma_start3A_732] : memref<6400x128x128xf32, #tpu.memory_space<hbm>> -> memref<1x128x128xf32, #tpu.memory_space<hbm>>
      %dma_start3A_734 = tpu.memref_squeeze %dma_start3A_733 : memref<1x128x128xf32, #tpu.memory_space<hbm>> -> memref<128x128xf32, #tpu.memory_space<hbm>>
      %dma_start3A_735 = arith.constant 0 : i32
      %dma_start3A_736 = arith.constant 0 : i32
      %dma_start3A_737 = tpu.memref_slice %arg6[%dma_start3A_722, %dma_start3A_735, %dma_start3A_736] : memref<4x128x128xf32, #tpu.memory_space<vmem>> -> memref<1x128x128xf32, #tpu.memory_space<vmem>>
      %dma_start3A_738 = tpu.memref_squeeze %dma_start3A_737 : memref<1x128x128xf32, #tpu.memory_space<vmem>> -> memref<128x128xf32, #tpu.memory_space<vmem>>
      tpu.enqueue_dma source(%dma_start3A_738 : memref<128x128xf32, #tpu.memory_space<vmem>>) target(%dma_start3A_734 : memref<128x128xf32, #tpu.memory_space<hbm>>) target_semaphore(%arg14 : memref<!tpu.dma_semaphore, #tpu.memory_space<semaphore_mem>>)
      %sub3A_739 = arith.constant 1 : i32
      %sub3A_740 = arith.subi %add3A_709, %sub3A_739 : i32
      %add3A_741 = arith.addi %mul3A_2, %sub3A_740 : i32
      %dma_wait3A_742 = arith.constant 2 : i32
      %dma_wait3A_743 = arith.constant 0 : i32
      %dma_wait3A_744 = arith.constant 0 : i32
      %dma_wait3A_745 = tpu.memref_slice %arg6[%dma_wait3A_742, %dma_wait3A_743, %dma_wait3A_744] : memref<4x128x128xf32, #tpu.memory_space<vmem>> -> memref<1x128x128xf32, #tpu.memory_space<vmem>>
      %dma_wait3A_746 = tpu.memref_squeeze %dma_wait3A_745 : memref<1x128x128xf32, #tpu.memory_space<vmem>> -> memref<128x128xf32, #tpu.memory_space<vmem>>
      %dma_wait3A_747 = arith.constant 0 : i32
      %dma_wait3A_748 = arith.constant 0 : i32
      %dma_wait3A_749 = tpu.memref_slice %arg4[%add3A_741, %dma_wait3A_747, %dma_wait3A_748] : memref<6400x128x128xf32, #tpu.memory_space<hbm>> -> memref<1x128x128xf32, #tpu.memory_space<hbm>>
      %dma_wait3A_750 = tpu.memref_squeeze %dma_wait3A_749 : memref<1x128x128xf32, #tpu.memory_space<hbm>> -> memref<128x128xf32, #tpu.memory_space<hbm>>
      %dma_wait3A_751 = arith.constant 0 : i32
      %dma_wait3A_752 = arith.constant 0 : i32
      %dma_wait3A_753 = tpu.memref_slice %arg4[%add3A_741, %dma_wait3A_751, %dma_wait3A_752] : memref<6400x128x128xf32, #tpu.memory_space<hbm>> -> memref<1x128x128xf32, #tpu.memory_space<hbm>>
      %dma_wait3A_754 = tpu.memref_squeeze %dma_wait3A_753 : memref<1x128x128xf32, #tpu.memory_space<hbm>> -> memref<128x128xf32, #tpu.memory_space<hbm>>
      %dma_wait3A_755 = arith.constant 0 : i32
      %dma_wait3A_756 = arith.constant 0 : i32
      %dma_wait3A_757 = tpu.memref_slice %arg6[%dma_wait3A_742, %dma_wait3A_755, %dma_wait3A_756] : memref<4x128x128xf32, #tpu.memory_space<vmem>> -> memref<1x128x128xf32, #tpu.memory_space<vmem>>
      %dma_wait3A_758 = tpu.memref_squeeze %dma_wait3A_757 : memref<1x128x128xf32, #tpu.memory_space<vmem>> -> memref<128x128xf32, #tpu.memory_space<vmem>>
      tpu.wait_dma2 semaphore(%arg13 : memref<!tpu.dma_semaphore, #tpu.memory_space<semaphore_mem>>) src(%dma_wait3A_758 : memref<128x128xf32, #tpu.memory_space<vmem>>) dst(%dma_wait3A_754 : memref<128x128xf32, #tpu.memory_space<hbm>>)
      %add3A_759 = arith.constant 4 : i32
      %add3A_760 = arith.addi %add3A_709, %add3A_759 : i32
      %sub3A_761 = arith.constant 1 : i32
      %sub3A_762 = arith.subi %add3A_760, %sub3A_761 : i32
      %dma_start3A_763 = arith.constant 2 : i32
      %dma_start3A_764 = arith.constant 0 : i32
      %dma_start3A_765 = arith.constant 0 : i32
      %dma_start3A_766 = tpu.memref_slice %arg6[%dma_start3A_763, %dma_start3A_764, %dma_start3A_765] : memref<4x128x128xf32, #tpu.memory_space<vmem>> -> memref<1x128x128xf32, #tpu.memory_space<vmem>>
      %dma_start3A_767 = tpu.memref_squeeze %dma_start3A_766 : memref<1x128x128xf32, #tpu.memory_space<vmem>> -> memref<128x128xf32, #tpu.memory_space<vmem>>
      %dma_start3A_768 = arith.constant 0 : i32
      %dma_start3A_769 = tpu.memref_slice %arg5[%sub3A_762, %dma_start3A_768] : memref<200x128xi32, #tpu.memory_space<vmem>> -> memref<1x128xi32, #tpu.memory_space<vmem>>
      %dma_start3A_770 = tpu.memref_squeeze %dma_start3A_769 : memref<1x128xi32, #tpu.memory_space<vmem>> -> memref<128xi32, #tpu.memory_space<vmem>>
      %dma_start3A_771 = arith.constant 0 : i32
      %dma_start3A_772 = arith.constant 0 : i32
      %dma_start3A_773 = tpu.memref_slice %arg3[%dma_start3A_771, %dma_start3A_772] : memref<1000000x128xf32, #tpu.memory_space<hbm>> -> memref<1000000x128xf32, #tpu.memory_space<hbm>>
      tpu.enqueue_indirect_dma source(%dma_start3A_773 : memref<1000000x128xf32, #tpu.memory_space<hbm>>) target(%dma_start3A_767 : memref<128x128xf32, #tpu.memory_space<vmem>>) offsets(%dma_start3A_770 : memref<128xi32, #tpu.memory_space<vmem>>) semaphore(%arg9 : memref<!tpu.dma_semaphore, #tpu.memory_space<semaphore_mem>>)
    }
    %scan3A_270 = arith.constant 48 : i32
    %dma_wait3A_271 = arith.constant 196 : i32
    %dma_wait3A_272 = arith.constant 0 : i32
    %dma_wait3A_273 = arith.constant 0 : i32
    %dma_wait3A_274 = arith.constant 0 : i32
    %dma_wait3A_275 = tpu.memref_slice %arg6[%dma_wait3A_272, %dma_wait3A_273, %dma_wait3A_274] : memref<4x128x128xf32, #tpu.memory_space<vmem>> -> memref<1x128x128xf32, #tpu.memory_space<vmem>>
    %dma_wait3A_276 = tpu.memref_squeeze %dma_wait3A_275 : memref<1x128x128xf32, #tpu.memory_space<vmem>> -> memref<128x128xf32, #tpu.memory_space<vmem>>
    %dma_wait3A_277 = arith.constant 0 : i32
    %dma_wait3A_278 = tpu.memref_slice %arg5[%dma_wait3A_271, %dma_wait3A_277] : memref<200x128xi32, #tpu.memory_space<vmem>> -> memref<1x128xi32, #tpu.memory_space<vmem>>
    %dma_wait3A_279 = tpu.memref_squeeze %dma_wait3A_278 : memref<1x128xi32, #tpu.memory_space<vmem>> -> memref<128xi32, #tpu.memory_space<vmem>>
    %dma_wait3A_280 = arith.constant 0 : i32
    %dma_wait3A_281 = arith.constant 0 : i32
    %dma_wait3A_282 = tpu.memref_slice %arg3[%dma_wait3A_280, %dma_wait3A_281] : memref<1000000x128xf32, #tpu.memory_space<hbm>> -> memref<1000000x128xf32, #tpu.memory_space<hbm>>
    tpu.wait_indirect_dma semaphore(%arg7 : memref<!tpu.dma_semaphore, #tpu.memory_space<semaphore_mem>>) src(%dma_wait3A_282 : memref<1000000x128xf32, #tpu.memory_space<hbm>>) dst(%dma_wait3A_276 : memref<128x128xf32, #tpu.memory_space<vmem>>)
    %add3A_283 = arith.constant 196 : i32
    %add3A_284 = arith.addi %mul3A_2, %add3A_283 : i32
    %dma_start3A_285 = arith.constant 0 : i32
    %dma_start3A_286 = arith.constant 0 : i32
    %dma_start3A_287 = arith.constant 0 : i32
    %dma_start3A_288 = tpu.memref_slice %arg6[%dma_start3A_285, %dma_start3A_286, %dma_start3A_287] : memref<4x128x128xf32, #tpu.memory_space<vmem>> -> memref<1x128x128xf32, #tpu.memory_space<vmem>>
    %dma_start3A_289 = tpu.memref_squeeze %dma_start3A_288 : memref<1x128x128xf32, #tpu.memory_space<vmem>> -> memref<128x128xf32, #tpu.memory_space<vmem>>
    %dma_start3A_290 = arith.constant 0 : i32
    %dma_start3A_291 = arith.constant 0 : i32
    %dma_start3A_292 = tpu.memref_slice %arg4[%add3A_284, %dma_start3A_290, %dma_start3A_291] : memref<6400x128x128xf32, #tpu.memory_space<hbm>> -> memref<1x128x128xf32, #tpu.memory_space<hbm>>
    %dma_start3A_293 = tpu.memref_squeeze %dma_start3A_292 : memref<1x128x128xf32, #tpu.memory_space<hbm>> -> memref<128x128xf32, #tpu.memory_space<hbm>>
    %dma_start3A_294 = arith.constant 0 : i32
    %dma_start3A_295 = arith.constant 0 : i32
    %dma_start3A_296 = tpu.memref_slice %arg4[%add3A_284, %dma_start3A_294, %dma_start3A_295] : memref<6400x128x128xf32, #tpu.memory_space<hbm>> -> memref<1x128x128xf32, #tpu.memory_space<hbm>>
    %dma_start3A_297 = tpu.memref_squeeze %dma_start3A_296 : memref<1x128x128xf32, #tpu.memory_space<hbm>> -> memref<128x128xf32, #tpu.memory_space<hbm>>
    %dma_start3A_298 = arith.constant 0 : i32
    %dma_start3A_299 = arith.constant 0 : i32
    %dma_start3A_300 = tpu.memref_slice %arg6[%dma_start3A_285, %dma_start3A_298, %dma_start3A_299] : memref<4x128x128xf32, #tpu.memory_space<vmem>> -> memref<1x128x128xf32, #tpu.memory_space<vmem>>
    %dma_start3A_301 = tpu.memref_squeeze %dma_start3A_300 : memref<1x128x128xf32, #tpu.memory_space<vmem>> -> memref<128x128xf32, #tpu.memory_space<vmem>>
    tpu.enqueue_dma source(%dma_start3A_301 : memref<128x128xf32, #tpu.memory_space<vmem>>) target(%dma_start3A_297 : memref<128x128xf32, #tpu.memory_space<hbm>>) target_semaphore(%arg11 : memref<!tpu.dma_semaphore, #tpu.memory_space<semaphore_mem>>)
    %add3A_302 = arith.constant 195 : i32
    %add3A_303 = arith.addi %mul3A_2, %add3A_302 : i32
    %dma_wait3A_304 = arith.constant 3 : i32
    %dma_wait3A_305 = arith.constant 0 : i32
    %dma_wait3A_306 = arith.constant 0 : i32
    %dma_wait3A_307 = tpu.memref_slice %arg6[%dma_wait3A_304, %dma_wait3A_305, %dma_wait3A_306] : memref<4x128x128xf32, #tpu.memory_space<vmem>> -> memref<1x128x128xf32, #tpu.memory_space<vmem>>
    %dma_wait3A_308 = tpu.memref_squeeze %dma_wait3A_307 : memref<1x128x128xf32, #tpu.memory_space<vmem>> -> memref<128x128xf32, #tpu.memory_space<vmem>>
    %dma_wait3A_309 = arith.constant 0 : i32
    %dma_wait3A_310 = arith.constant 0 : i32
    %dma_wait3A_311 = tpu.memref_slice %arg4[%add3A_303, %dma_wait3A_309, %dma_wait3A_310] : memref<6400x128x128xf32, #tpu.memory_space<hbm>> -> memref<1x128x128xf32, #tpu.memory_space<hbm>>
    %dma_wait3A_312 = tpu.memref_squeeze %dma_wait3A_311 : memref<1x128x128xf32, #tpu.memory_space<hbm>> -> memref<128x128xf32, #tpu.memory_space<hbm>>
    %dma_wait3A_313 = arith.constant 0 : i32
    %dma_wait3A_314 = arith.constant 0 : i32
    %dma_wait3A_315 = tpu.memref_slice %arg4[%add3A_303, %dma_wait3A_313, %dma_wait3A_314] : memref<6400x128x128xf32, #tpu.memory_space<hbm>> -> memref<1x128x128xf32, #tpu.memory_space<hbm>>
    %dma_wait3A_316 = tpu.memref_squeeze %dma_wait3A_315 : memref<1x128x128xf32, #tpu.memory_space<hbm>> -> memref<128x128xf32, #tpu.memory_space<hbm>>
    %dma_wait3A_317 = arith.constant 0 : i32
    %dma_wait3A_318 = arith.constant 0 : i32
    %dma_wait3A_319 = tpu.memref_slice %arg6[%dma_wait3A_304, %dma_wait3A_317, %dma_wait3A_318] : memref<4x128x128xf32, #tpu.memory_space<vmem>> -> memref<1x128x128xf32, #tpu.memory_space<vmem>>
    %dma_wait3A_320 = tpu.memref_squeeze %dma_wait3A_319 : memref<1x128x128xf32, #tpu.memory_space<vmem>> -> memref<128x128xf32, #tpu.memory_space<vmem>>
    tpu.wait_dma2 semaphore(%arg14 : memref<!tpu.dma_semaphore, #tpu.memory_space<semaphore_mem>>) src(%dma_wait3A_320 : memref<128x128xf32, #tpu.memory_space<vmem>>) dst(%dma_wait3A_316 : memref<128x128xf32, #tpu.memory_space<hbm>>)
    %dma_start3A_321 = arith.constant 199 : i32
    %dma_start3A_322 = arith.constant 3 : i32
    %dma_start3A_323 = arith.constant 0 : i32
    %dma_start3A_324 = arith.constant 0 : i32
    %dma_start3A_325 = tpu.memref_slice %arg6[%dma_start3A_322, %dma_start3A_323, %dma_start3A_324] : memref<4x128x128xf32, #tpu.memory_space<vmem>> -> memref<1x128x128xf32, #tpu.memory_space<vmem>>
    %dma_start3A_326 = tpu.memref_squeeze %dma_start3A_325 : memref<1x128x128xf32, #tpu.memory_space<vmem>> -> memref<128x128xf32, #tpu.memory_space<vmem>>
    %dma_start3A_327 = arith.constant 0 : i32
    %dma_start3A_328 = tpu.memref_slice %arg5[%dma_start3A_321, %dma_start3A_327] : memref<200x128xi32, #tpu.memory_space<vmem>> -> memref<1x128xi32, #tpu.memory_space<vmem>>
    %dma_start3A_329 = tpu.memref_squeeze %dma_start3A_328 : memref<1x128xi32, #tpu.memory_space<vmem>> -> memref<128xi32, #tpu.memory_space<vmem>>
    %dma_start3A_330 = arith.constant 0 : i32
    %dma_start3A_331 = arith.constant 0 : i32
    %dma_start3A_332 = tpu.memref_slice %arg3[%dma_start3A_330, %dma_start3A_331] : memref<1000000x128xf32, #tpu.memory_space<hbm>> -> memref<1000000x128xf32, #tpu.memory_space<hbm>>
    tpu.enqueue_indirect_dma source(%dma_start3A_332 : memref<1000000x128xf32, #tpu.memory_space<hbm>>) target(%dma_start3A_326 : memref<128x128xf32, #tpu.memory_space<vmem>>) offsets(%dma_start3A_329 : memref<128xi32, #tpu.memory_space<vmem>>) semaphore(%arg10 : memref<!tpu.dma_semaphore, #tpu.memory_space<semaphore_mem>>)
    %dma_wait3A_333 = arith.constant 197 : i32
    %dma_wait3A_334 = arith.constant 1 : i32
    %dma_wait3A_335 = arith.constant 0 : i32
    %dma_wait3A_336 = arith.constant 0 : i32
    %dma_wait3A_337 = tpu.memref_slice %arg6[%dma_wait3A_334, %dma_wait3A_335, %dma_wait3A_336] : memref<4x128x128xf32, #tpu.memory_space<vmem>> -> memref<1x128x128xf32, #tpu.memory_space<vmem>>
    %dma_wait3A_338 = tpu.memref_squeeze %dma_wait3A_337 : memref<1x128x128xf32, #tpu.memory_space<vmem>> -> memref<128x128xf32, #tpu.memory_space<vmem>>
    %dma_wait3A_339 = arith.constant 0 : i32
    %dma_wait3A_340 = tpu.memref_slice %arg5[%dma_wait3A_333, %dma_wait3A_339] : memref<200x128xi32, #tpu.memory_space<vmem>> -> memref<1x128xi32, #tpu.memory_space<vmem>>
    %dma_wait3A_341 = tpu.memref_squeeze %dma_wait3A_340 : memref<1x128xi32, #tpu.memory_space<vmem>> -> memref<128xi32, #tpu.memory_space<vmem>>
    %dma_wait3A_342 = arith.constant 0 : i32
    %dma_wait3A_343 = arith.constant 0 : i32
    %dma_wait3A_344 = tpu.memref_slice %arg3[%dma_wait3A_342, %dma_wait3A_343] : memref<1000000x128xf32, #tpu.memory_space<hbm>> -> memref<1000000x128xf32, #tpu.memory_space<hbm>>
    tpu.wait_indirect_dma semaphore(%arg8 : memref<!tpu.dma_semaphore, #tpu.memory_space<semaphore_mem>>) src(%dma_wait3A_344 : memref<1000000x128xf32, #tpu.memory_space<hbm>>) dst(%dma_wait3A_338 : memref<128x128xf32, #tpu.memory_space<vmem>>)
    %add3A_345 = arith.constant 197 : i32
    %add3A_346 = arith.addi %mul3A_2, %add3A_345 : i32
    %dma_start3A_347 = arith.constant 1 : i32
    %dma_start3A_348 = arith.constant 0 : i32
    %dma_start3A_349 = arith.constant 0 : i32
    %dma_start3A_350 = tpu.memref_slice %arg6[%dma_start3A_347, %dma_start3A_348, %dma_start3A_349] : memref<4x128x128xf32, #tpu.memory_space<vmem>> -> memref<1x128x128xf32, #tpu.memory_space<vmem>>
    %dma_start3A_351 = tpu.memref_squeeze %dma_start3A_350 : memref<1x128x128xf32, #tpu.memory_space<vmem>> -> memref<128x128xf32, #tpu.memory_space<vmem>>
    %dma_start3A_352 = arith.constant 0 : i32
    %dma_start3A_353 = arith.constant 0 : i32
    %dma_start3A_354 = tpu.memref_slice %arg4[%add3A_346, %dma_start3A_352, %dma_start3A_353] : memref<6400x128x128xf32, #tpu.memory_space<hbm>> -> memref<1x128x128xf32, #tpu.memory_space<hbm>>
    %dma_start3A_355 = tpu.memref_squeeze %dma_start3A_354 : memref<1x128x128xf32, #tpu.memory_space<hbm>> -> memref<128x128xf32, #tpu.memory_space<hbm>>
    %dma_start3A_356 = arith.constant 0 : i32
    %dma_start3A_357 = arith.constant 0 : i32
    %dma_start3A_358 = tpu.memref_slice %arg4[%add3A_346, %dma_start3A_356, %dma_start3A_357] : memref<6400x128x128xf32, #tpu.memory_space<hbm>> -> memref<1x128x128xf32, #tpu.memory_space<hbm>>
    %dma_start3A_359 = tpu.memref_squeeze %dma_start3A_358 : memref<1x128x128xf32, #tpu.memory_space<hbm>> -> memref<128x128xf32, #tpu.memory_space<hbm>>
    %dma_start3A_360 = arith.constant 0 : i32
    %dma_start3A_361 = arith.constant 0 : i32
    %dma_start3A_362 = tpu.memref_slice %arg6[%dma_start3A_347, %dma_start3A_360, %dma_start3A_361] : memref<4x128x128xf32, #tpu.memory_space<vmem>> -> memref<1x128x128xf32, #tpu.memory_space<vmem>>
    %dma_start3A_363 = tpu.memref_squeeze %dma_start3A_362 : memref<1x128x128xf32, #tpu.memory_space<vmem>> -> memref<128x128xf32, #tpu.memory_space<vmem>>
    tpu.enqueue_dma source(%dma_start3A_363 : memref<128x128xf32, #tpu.memory_space<vmem>>) target(%dma_start3A_359 : memref<128x128xf32, #tpu.memory_space<hbm>>) target_semaphore(%arg12 : memref<!tpu.dma_semaphore, #tpu.memory_space<semaphore_mem>>)
    %dma_wait3A_364 = arith.constant 198 : i32
    %dma_wait3A_365 = arith.constant 2 : i32
    %dma_wait3A_366 = arith.constant 0 : i32
    %dma_wait3A_367 = arith.constant 0 : i32
    %dma_wait3A_368 = tpu.memref_slice %arg6[%dma_wait3A_365, %dma_wait3A_366, %dma_wait3A_367] : memref<4x128x128xf32, #tpu.memory_space<vmem>> -> memref<1x128x128xf32, #tpu.memory_space<vmem>>
    %dma_wait3A_369 = tpu.memref_squeeze %dma_wait3A_368 : memref<1x128x128xf32, #tpu.memory_space<vmem>> -> memref<128x128xf32, #tpu.memory_space<vmem>>
    %dma_wait3A_370 = arith.constant 0 : i32
    %dma_wait3A_371 = tpu.memref_slice %arg5[%dma_wait3A_364, %dma_wait3A_370] : memref<200x128xi32, #tpu.memory_space<vmem>> -> memref<1x128xi32, #tpu.memory_space<vmem>>
    %dma_wait3A_372 = tpu.memref_squeeze %dma_wait3A_371 : memref<1x128xi32, #tpu.memory_space<vmem>> -> memref<128xi32, #tpu.memory_space<vmem>>
    %dma_wait3A_373 = arith.constant 0 : i32
    %dma_wait3A_374 = arith.constant 0 : i32
    %dma_wait3A_375 = tpu.memref_slice %arg3[%dma_wait3A_373, %dma_wait3A_374] : memref<1000000x128xf32, #tpu.memory_space<hbm>> -> memref<1000000x128xf32, #tpu.memory_space<hbm>>
    tpu.wait_indirect_dma semaphore(%arg9 : memref<!tpu.dma_semaphore, #tpu.memory_space<semaphore_mem>>) src(%dma_wait3A_375 : memref<1000000x128xf32, #tpu.memory_space<hbm>>) dst(%dma_wait3A_369 : memref<128x128xf32, #tpu.memory_space<vmem>>)
    %add3A_376 = arith.constant 198 : i32
    %add3A_377 = arith.addi %mul3A_2, %add3A_376 : i32
    %dma_start3A_378 = arith.constant 2 : i32
    %dma_start3A_379 = arith.constant 0 : i32
    %dma_start3A_380 = arith.constant 0 : i32
    %dma_start3A_381 = tpu.memref_slice %arg6[%dma_start3A_378, %dma_start3A_379, %dma_start3A_380] : memref<4x128x128xf32, #tpu.memory_space<vmem>> -> memref<1x128x128xf32, #tpu.memory_space<vmem>>
    %dma_start3A_382 = tpu.memref_squeeze %dma_start3A_381 : memref<1x128x128xf32, #tpu.memory_space<vmem>> -> memref<128x128xf32, #tpu.memory_space<vmem>>
    %dma_start3A_383 = arith.constant 0 : i32
    %dma_start3A_384 = arith.constant 0 : i32
    %dma_start3A_385 = tpu.memref_slice %arg4[%add3A_377, %dma_start3A_383, %dma_start3A_384] : memref<6400x128x128xf32, #tpu.memory_space<hbm>> -> memref<1x128x128xf32, #tpu.memory_space<hbm>>
    %dma_start3A_386 = tpu.memref_squeeze %dma_start3A_385 : memref<1x128x128xf32, #tpu.memory_space<hbm>> -> memref<128x128xf32, #tpu.memory_space<hbm>>
    %dma_start3A_387 = arith.constant 0 : i32
    %dma_start3A_388 = arith.constant 0 : i32
    %dma_start3A_389 = tpu.memref_slice %arg4[%add3A_377, %dma_start3A_387, %dma_start3A_388] : memref<6400x128x128xf32, #tpu.memory_space<hbm>> -> memref<1x128x128xf32, #tpu.memory_space<hbm>>
    %dma_start3A_390 = tpu.memref_squeeze %dma_start3A_389 : memref<1x128x128xf32, #tpu.memory_space<hbm>> -> memref<128x128xf32, #tpu.memory_space<hbm>>
    %dma_start3A_391 = arith.constant 0 : i32
    %dma_start3A_392 = arith.constant 0 : i32
    %dma_start3A_393 = tpu.memref_slice %arg6[%dma_start3A_378, %dma_start3A_391, %dma_start3A_392] : memref<4x128x128xf32, #tpu.memory_space<vmem>> -> memref<1x128x128xf32, #tpu.memory_space<vmem>>
    %dma_start3A_394 = tpu.memref_squeeze %dma_start3A_393 : memref<1x128x128xf32, #tpu.memory_space<vmem>> -> memref<128x128xf32, #tpu.memory_space<vmem>>
    tpu.enqueue_dma source(%dma_start3A_394 : memref<128x128xf32, #tpu.memory_space<vmem>>) target(%dma_start3A_390 : memref<128x128xf32, #tpu.memory_space<hbm>>) target_semaphore(%arg13 : memref<!tpu.dma_semaphore, #tpu.memory_space<semaphore_mem>>)
    %dma_wait3A_395 = arith.constant 199 : i32
    %dma_wait3A_396 = arith.constant 3 : i32
    %dma_wait3A_397 = arith.constant 0 : i32
    %dma_wait3A_398 = arith.constant 0 : i32
    %dma_wait3A_399 = tpu.memref_slice %arg6[%dma_wait3A_396, %dma_wait3A_397, %dma_wait3A_398] : memref<4x128x128xf32, #tpu.memory_space<vmem>> -> memref<1x128x128xf32, #tpu.memory_space<vmem>>
    %dma_wait3A_400 = tpu.memref_squeeze %dma_wait3A_399 : memref<1x128x128xf32, #tpu.memory_space<vmem>> -> memref<128x128xf32, #tpu.memory_space<vmem>>
    %dma_wait3A_401 = arith.constant 0 : i32
    %dma_wait3A_402 = tpu.memref_slice %arg5[%dma_wait3A_395, %dma_wait3A_401] : memref<200x128xi32, #tpu.memory_space<vmem>> -> memref<1x128xi32, #tpu.memory_space<vmem>>
    %dma_wait3A_403 = tpu.memref_squeeze %dma_wait3A_402 : memref<1x128xi32, #tpu.memory_space<vmem>> -> memref<128xi32, #tpu.memory_space<vmem>>
    %dma_wait3A_404 = arith.constant 0 : i32
    %dma_wait3A_405 = arith.constant 0 : i32
    %dma_wait3A_406 = tpu.memref_slice %arg3[%dma_wait3A_404, %dma_wait3A_405] : memref<1000000x128xf32, #tpu.memory_space<hbm>> -> memref<1000000x128xf32, #tpu.memory_space<hbm>>
    tpu.wait_indirect_dma semaphore(%arg10 : memref<!tpu.dma_semaphore, #tpu.memory_space<semaphore_mem>>) src(%dma_wait3A_406 : memref<1000000x128xf32, #tpu.memory_space<hbm>>) dst(%dma_wait3A_400 : memref<128x128xf32, #tpu.memory_space<vmem>>)
    %add3A_407 = arith.constant 199 : i32
    %add3A_408 = arith.addi %mul3A_2, %add3A_407 : i32
    %dma_start3A_409 = arith.constant 3 : i32
    %dma_start3A_410 = arith.constant 0 : i32
    %dma_start3A_411 = arith.constant 0 : i32
    %dma_start3A_412 = tpu.memref_slice %arg6[%dma_start3A_409, %dma_start3A_410, %dma_start3A_411] : memref<4x128x128xf32, #tpu.memory_space<vmem>> -> memref<1x128x128xf32, #tpu.memory_space<vmem>>
    %dma_start3A_413 = tpu.memref_squeeze %dma_start3A_412 : memref<1x128x128xf32, #tpu.memory_space<vmem>> -> memref<128x128xf32, #tpu.memory_space<vmem>>
    %dma_start3A_414 = arith.constant 0 : i32
    %dma_start3A_415 = arith.constant 0 : i32
    %dma_start3A_416 = tpu.memref_slice %arg4[%add3A_408, %dma_start3A_414, %dma_start3A_415] : memref<6400x128x128xf32, #tpu.memory_space<hbm>> -> memref<1x128x128xf32, #tpu.memory_space<hbm>>
    %dma_start3A_417 = tpu.memref_squeeze %dma_start3A_416 : memref<1x128x128xf32, #tpu.memory_space<hbm>> -> memref<128x128xf32, #tpu.memory_space<hbm>>
    %dma_start3A_418 = arith.constant 0 : i32
    %dma_start3A_419 = arith.constant 0 : i32
    %dma_start3A_420 = tpu.memref_slice %arg4[%add3A_408, %dma_start3A_418, %dma_start3A_419] : memref<6400x128x128xf32, #tpu.memory_space<hbm>> -> memref<1x128x128xf32, #tpu.memory_space<hbm>>
    %dma_start3A_421 = tpu.memref_squeeze %dma_start3A_420 : memref<1x128x128xf32, #tpu.memory_space<hbm>> -> memref<128x128xf32, #tpu.memory_space<hbm>>
    %dma_start3A_422 = arith.constant 0 : i32
    %dma_start3A_423 = arith.constant 0 : i32
    %dma_start3A_424 = tpu.memref_slice %arg6[%dma_start3A_409, %dma_start3A_422, %dma_start3A_423] : memref<4x128x128xf32, #tpu.memory_space<vmem>> -> memref<1x128x128xf32, #tpu.memory_space<vmem>>
    %dma_start3A_425 = tpu.memref_squeeze %dma_start3A_424 : memref<1x128x128xf32, #tpu.memory_space<vmem>> -> memref<128x128xf32, #tpu.memory_space<vmem>>
    tpu.enqueue_dma source(%dma_start3A_425 : memref<128x128xf32, #tpu.memory_space<vmem>>) target(%dma_start3A_421 : memref<128x128xf32, #tpu.memory_space<hbm>>) target_semaphore(%arg14 : memref<!tpu.dma_semaphore, #tpu.memory_space<semaphore_mem>>)
    %add3A_426 = arith.constant 196 : i32
    %add3A_427 = arith.addi %mul3A_2, %add3A_426 : i32
    %dma_wait3A_428 = arith.constant 0 : i32
    %dma_wait3A_429 = arith.constant 0 : i32
    %dma_wait3A_430 = arith.constant 0 : i32
    %dma_wait3A_431 = tpu.memref_slice %arg6[%dma_wait3A_428, %dma_wait3A_429, %dma_wait3A_430] : memref<4x128x128xf32, #tpu.memory_space<vmem>> -> memref<1x128x128xf32, #tpu.memory_space<vmem>>
    %dma_wait3A_432 = tpu.memref_squeeze %dma_wait3A_431 : memref<1x128x128xf32, #tpu.memory_space<vmem>> -> memref<128x128xf32, #tpu.memory_space<vmem>>
    %dma_wait3A_433 = arith.constant 0 : i32
    %dma_wait3A_434 = arith.constant 0 : i32
    %dma_wait3A_435 = tpu.memref_slice %arg4[%add3A_427, %dma_wait3A_433, %dma_wait3A_434] : memref<6400x128x128xf32, #tpu.memory_space<hbm>> -> memref<1x128x128xf32, #tpu.memory_space<hbm>>
    %dma_wait3A_436 = tpu.memref_squeeze %dma_wait3A_435 : memref<1x128x128xf32, #tpu.memory_space<hbm>> -> memref<128x128xf32, #tpu.memory_space<hbm>>
    %dma_wait3A_437 = arith.constant 0 : i32
    %dma_wait3A_438 = arith.constant 0 : i32
    %dma_wait3A_439 = tpu.memref_slice %arg4[%add3A_427, %dma_wait3A_437, %dma_wait3A_438] : memref<6400x128x128xf32, #tpu.memory_space<hbm>> -> memref<1x128x128xf32, #tpu.memory_space<hbm>>
    %dma_wait3A_440 = tpu.memref_squeeze %dma_wait3A_439 : memref<1x128x128xf32, #tpu.memory_space<hbm>> -> memref<128x128xf32, #tpu.memory_space<hbm>>
    %dma_wait3A_441 = arith.constant 0 : i32
    %dma_wait3A_442 = arith.constant 0 : i32
    %dma_wait3A_443 = tpu.memref_slice %arg6[%dma_wait3A_428, %dma_wait3A_441, %dma_wait3A_442] : memref<4x128x128xf32, #tpu.memory_space<vmem>> -> memref<1x128x128xf32, #tpu.memory_space<vmem>>
    %dma_wait3A_444 = tpu.memref_squeeze %dma_wait3A_443 : memref<1x128x128xf32, #tpu.memory_space<vmem>> -> memref<128x128xf32, #tpu.memory_space<vmem>>
    tpu.wait_dma2 semaphore(%arg11 : memref<!tpu.dma_semaphore, #tpu.memory_space<semaphore_mem>>) src(%dma_wait3A_444 : memref<128x128xf32, #tpu.memory_space<vmem>>) dst(%dma_wait3A_440 : memref<128x128xf32, #tpu.memory_space<hbm>>)
    %add3A_445 = arith.constant 197 : i32
    %add3A_446 = arith.addi %mul3A_2, %add3A_445 : i32
    %dma_wait3A_447 = arith.constant 1 : i32
    %dma_wait3A_448 = arith.constant 0 : i32
    %dma_wait3A_449 = arith.constant 0 : i32
    %dma_wait3A_450 = tpu.memref_slice %arg6[%dma_wait3A_447, %dma_wait3A_448, %dma_wait3A_449] : memref<4x128x128xf32, #tpu.memory_space<vmem>> -> memref<1x128x128xf32, #tpu.memory_space<vmem>>
    %dma_wait3A_451 = tpu.memref_squeeze %dma_wait3A_450 : memref<1x128x128xf32, #tpu.memory_space<vmem>> -> memref<128x128xf32, #tpu.memory_space<vmem>>
    %dma_wait3A_452 = arith.constant 0 : i32
    %dma_wait3A_453 = arith.constant 0 : i32
    %dma_wait3A_454 = tpu.memref_slice %arg4[%add3A_446, %dma_wait3A_452, %dma_wait3A_453] : memref<6400x128x128xf32, #tpu.memory_space<hbm>> -> memref<1x128x128xf32, #tpu.memory_space<hbm>>
    %dma_wait3A_455 = tpu.memref_squeeze %dma_wait3A_454 : memref<1x128x128xf32, #tpu.memory_space<hbm>> -> memref<128x128xf32, #tpu.memory_space<hbm>>
    %dma_wait3A_456 = arith.constant 0 : i32
    %dma_wait3A_457 = arith.constant 0 : i32
    %dma_wait3A_458 = tpu.memref_slice %arg4[%add3A_446, %dma_wait3A_456, %dma_wait3A_457] : memref<6400x128x128xf32, #tpu.memory_space<hbm>> -> memref<1x128x128xf32, #tpu.memory_space<hbm>>
    %dma_wait3A_459 = tpu.memref_squeeze %dma_wait3A_458 : memref<1x128x128xf32, #tpu.memory_space<hbm>> -> memref<128x128xf32, #tpu.memory_space<hbm>>
    %dma_wait3A_460 = arith.constant 0 : i32
    %dma_wait3A_461 = arith.constant 0 : i32
    %dma_wait3A_462 = tpu.memref_slice %arg6[%dma_wait3A_447, %dma_wait3A_460, %dma_wait3A_461] : memref<4x128x128xf32, #tpu.memory_space<vmem>> -> memref<1x128x128xf32, #tpu.memory_space<vmem>>
    %dma_wait3A_463 = tpu.memref_squeeze %dma_wait3A_462 : memref<1x128x128xf32, #tpu.memory_space<vmem>> -> memref<128x128xf32, #tpu.memory_space<vmem>>
    tpu.wait_dma2 semaphore(%arg12 : memref<!tpu.dma_semaphore, #tpu.memory_space<semaphore_mem>>) src(%dma_wait3A_463 : memref<128x128xf32, #tpu.memory_space<vmem>>) dst(%dma_wait3A_459 : memref<128x128xf32, #tpu.memory_space<hbm>>)
    %add3A_464 = arith.constant 198 : i32
    %add3A_465 = arith.addi %mul3A_2, %add3A_464 : i32
    %dma_wait3A_466 = arith.constant 2 : i32
    %dma_wait3A_467 = arith.constant 0 : i32
    %dma_wait3A_468 = arith.constant 0 : i32
    %dma_wait3A_469 = tpu.memref_slice %arg6[%dma_wait3A_466, %dma_wait3A_467, %dma_wait3A_468] : memref<4x128x128xf32, #tpu.memory_space<vmem>> -> memref<1x128x128xf32, #tpu.memory_space<vmem>>
    %dma_wait3A_470 = tpu.memref_squeeze %dma_wait3A_469 : memref<1x128x128xf32, #tpu.memory_space<vmem>> -> memref<128x128xf32, #tpu.memory_space<vmem>>
    %dma_wait3A_471 = arith.constant 0 : i32
    %dma_wait3A_472 = arith.constant 0 : i32
    %dma_wait3A_473 = tpu.memref_slice %arg4[%add3A_465, %dma_wait3A_471, %dma_wait3A_472] : memref<6400x128x128xf32, #tpu.memory_space<hbm>> -> memref<1x128x128xf32, #tpu.memory_space<hbm>>
    %dma_wait3A_474 = tpu.memref_squeeze %dma_wait3A_473 : memref<1x128x128xf32, #tpu.memory_space<hbm>> -> memref<128x128xf32, #tpu.memory_space<hbm>>
    %dma_wait3A_475 = arith.constant 0 : i32
    %dma_wait3A_476 = arith.constant 0 : i32
    %dma_wait3A_477 = tpu.memref_slice %arg4[%add3A_465, %dma_wait3A_475, %dma_wait3A_476] : memref<6400x128x128xf32, #tpu.memory_space<hbm>> -> memref<1x128x128xf32, #tpu.memory_space<hbm>>
    %dma_wait3A_478 = tpu.memref_squeeze %dma_wait3A_477 : memref<1x128x128xf32, #tpu.memory_space<hbm>> -> memref<128x128xf32, #tpu.memory_space<hbm>>
    %dma_wait3A_479 = arith.constant 0 : i32
    %dma_wait3A_480 = arith.constant 0 : i32
    %dma_wait3A_481 = tpu.memref_slice %arg6[%dma_wait3A_466, %dma_wait3A_479, %dma_wait3A_480] : memref<4x128x128xf32, #tpu.memory_space<vmem>> -> memref<1x128x128xf32, #tpu.memory_space<vmem>>
    %dma_wait3A_482 = tpu.memref_squeeze %dma_wait3A_481 : memref<1x128x128xf32, #tpu.memory_space<vmem>> -> memref<128x128xf32, #tpu.memory_space<vmem>>
    tpu.wait_dma2 semaphore(%arg13 : memref<!tpu.dma_semaphore, #tpu.memory_space<semaphore_mem>>) src(%dma_wait3A_482 : memref<128x128xf32, #tpu.memory_space<vmem>>) dst(%dma_wait3A_478 : memref<128x128xf32, #tpu.memory_space<hbm>>)
    %add3A_483 = arith.constant 199 : i32
    %add3A_484 = arith.addi %mul3A_2, %add3A_483 : i32
    %dma_wait3A_485 = arith.constant 3 : i32
    %dma_wait3A_486 = arith.constant 0 : i32
    %dma_wait3A_487 = arith.constant 0 : i32
    %dma_wait3A_488 = tpu.memref_slice %arg6[%dma_wait3A_485, %dma_wait3A_486, %dma_wait3A_487] : memref<4x128x128xf32, #tpu.memory_space<vmem>> -> memref<1x128x128xf32, #tpu.memory_space<vmem>>
    %dma_wait3A_489 = tpu.memref_squeeze %dma_wait3A_488 : memref<1x128x128xf32, #tpu.memory_space<vmem>> -> memref<128x128xf32, #tpu.memory_space<vmem>>
    %dma_wait3A_490 = arith.constant 0 : i32
    %dma_wait3A_491 = arith.constant 0 : i32
    %dma_wait3A_492 = tpu.memref_slice %arg4[%add3A_484, %dma_wait3A_490, %dma_wait3A_491] : memref<6400x128x128xf32, #tpu.memory_space<hbm>> -> memref<1x128x128xf32, #tpu.memory_space<hbm>>
    %dma_wait3A_493 = tpu.memref_squeeze %dma_wait3A_492 : memref<1x128x128xf32, #tpu.memory_space<hbm>> -> memref<128x128xf32, #tpu.memory_space<hbm>>
    %dma_wait3A_494 = arith.constant 0 : i32
    %dma_wait3A_495 = arith.constant 0 : i32
    %dma_wait3A_496 = tpu.memref_slice %arg4[%add3A_484, %dma_wait3A_494, %dma_wait3A_495] : memref<6400x128x128xf32, #tpu.memory_space<hbm>> -> memref<1x128x128xf32, #tpu.memory_space<hbm>>
    %dma_wait3A_497 = tpu.memref_squeeze %dma_wait3A_496 : memref<1x128x128xf32, #tpu.memory_space<hbm>> -> memref<128x128xf32, #tpu.memory_space<hbm>>
    %dma_wait3A_498 = arith.constant 0 : i32
    %dma_wait3A_499 = arith.constant 0 : i32
    %dma_wait3A_500 = tpu.memref_slice %arg6[%dma_wait3A_485, %dma_wait3A_498, %dma_wait3A_499] : memref<4x128x128xf32, #tpu.memory_space<vmem>> -> memref<1x128x128xf32, #tpu.memory_space<vmem>>
    %dma_wait3A_501 = tpu.memref_squeeze %dma_wait3A_500 : memref<1x128x128xf32, #tpu.memory_space<vmem>> -> memref<128x128xf32, #tpu.memory_space<vmem>>
    tpu.wait_dma2 semaphore(%arg14 : memref<!tpu.dma_semaphore, #tpu.memory_space<semaphore_mem>>) src(%dma_wait3A_501 : memref<128x128xf32, #tpu.memory_space<vmem>>) dst(%dma_wait3A_497 : memref<128x128xf32, #tpu.memory_space<hbm>>)
    return
  }
}

</mosaic_0001>

<sc_bundles>
// kernel: kernel.3.cloned.1.call-start
scs
__scs_entry_jumppad:
0x0: {  	(pc) =	sbr.rel $0x88, $3  }
0x1: {  	(tag) =	ssettag $0x0;
	lr =	simm.s32 $0x1  }
0x2: {  	[smem:$0x3F9E] =	sst lr;
	_ =	strace $0xD0000000  }
0x3: {  	_ = 	snop  }
0x4: {  	_ = 	snop  }
0x5: {  	_ = 	snop  }
0x6: {  	_ = 	snop  }
0x7: {  	_ = 	snop  }
__scs_overlays_trampoline_lowered:
0x8: {  	[smem:$0x3FAD] =	sst s0  }
0x9: {  	[smem:$0x3FAE] =	sst s1  }
0xa: {  	[smem:$0x3FAF] =	sst s2  }
0xb: {  	[smem:$0x3FB0] =	sst s3  }
0xc: {  	[smem:$0x3FB1] =	sst s4  }
0xd: {  	[smem:$0x3FB2] =	sst s5  }
0xe: {  	[smem:$0x3FB3] =	sst s6  }
0xf: {  	[smem:$0x3FB4] =	sst s7  }
0x10: {  	[smem:$0x3FB5] =	sst s8  }
0x11: {  	[smem:$0x3FB6] =	sst s9;
	s0 =	simm.s32 @!p0 $0x0  }
0x12: {  	s1 =	sld [smem:$0x3F9C];
	s0 =	simm.s32 @p0 $0x1  }
0x13: {  	[smem:$0x3FB7] =	sst s0;
	s0 =	simm.s32 @!p1 $0x0  }
0x14: {  	s2 =	sld [smem:$0x3F9B];
	s0 =	simm.s32 @p1 $0x1  }
0x15: {  	[smem:$0x3FB8] =	sst s0;
	s0 =	simm.s32 @!p2 $0x0  }
0x16: {  	s3 =	sld [smem:$0x3FDB];
	s0 =	simm.s32 @p2 $0x1  }
0x17: {  	s4 =	simm.s32 $0x1BF5;
	[smem:$0x3FBA] =	sst s0  }
0x18: {  	s0 =	sld [smem:$0x3F9D];
	_ =	swait.ge [sflag:s4], $0x0  }
0x19: {  	s7 =	sld [smem:$0x3F9E]  }
0x1a: {  	s8 =	sadd.s32 $0xFFFFE003, lr  }
0x1b: {  	s9 =	sadd.s32 $0xFFFFFEF7, lr;
	s5 =	simm.s32 $0xFFFFFFFF;
	p2 =	slt.u32 s8, $0xFFFFF086  }
0x1c: {  	p1 =	slt.u32 s9, $0xF7A;
	s5 =	simm.s32 @!p2 $0x0  }
0x1d: {  	s5 =	simm.s32 @p1 $0x1;
	p0 =	seq.s32 s7, s2  }
0x1e: {  	s7 =	smul.u32 @!p0 $0xF7A, s2;
	p2 =	seq.s32 @!p0 s5, $0x0  }
0x1f: {  	s9 =	smul.u32 $0xF7A, s1;
	s8 =	simm.s32 @!p0 $0x1BF5;
	p2 =	por !p2, p0  }
0x20: {  	[sflag:s8] =	ssyncset.s32 @!p0 $0xFFFFF086;
	s6 =	sadd.s32 @!p0 s3, s7;
	s7 =	simm.s32 @!p0 $0x108  }
0x21: {  	s3 =	sadd.s32 s3, s9;
	s6 =	sadd.s32 @!p0 $0x88, s6;
	s7 =	simm.s32 @p2 $0x1082  }
0x22: {  	[simem:s7], [sflag:s8] =	dma.local @!p0 [hbm:s6], $0xF7A  }
0x23: {  	s9 =	sor.u32 $0xD0000000, s2;
	s6 =	simm.s32 $0x108;
	_ =	swait.ge @!p0 [sflag:s8], $0x0  }
0x24: {  	s3 =	sadd.s32 $0x88, s3;
	s6 =	simm.s32 @!p1 $0x1082;
	[sflag:s4] =	ssyncset.s32 $0xFFFFF086  }
0x25: {  	[simem:s6], [sflag:s4] =	dma.local [hbm:s3], $0xF7A  }
0x26: {  	[smem:$0x3F9E] =	sst s1;
	(tag) =	ssettag s2;
	_ =	strace s9  }
0x27: {  	s1 =	sld [smem:$0x3FAE]  }
0x28: {  	s2 =	sld [smem:$0x3FAF]  }
0x29: {  	s4 =	sld [smem:$0x3FB1]  }
0x2a: {  	p0 =	seq.s32 s5, $0x0;
	s5 =	sld [smem:$0x3FB2]  }
0x2b: {  	s6 =	sld [smem:$0x3FB3]  }
0x2c: {  	s7 =	sld [smem:$0x3FB4]  }
0x2d: {  	s3 =	simm.s32 $0x108;
	s8 =	sld [smem:$0x3FB5]  }
0x2e: {  	s3 =	simm.s32 @!p0 $0x1082;
	s9 =	sld [smem:$0x3FB6]  }
0x2f: {  	lr =	sadd.s32 s0, s3;
	s0 =	sld [smem:$0x3FAD]  }
0x30: {  	s3 =	sld [smem:$0x3FB0]  }
0x31: {  	[smem:$0x3FB9] =	sst s10  }
0x32: {  	s10 =	sld [smem:$0x3FB7];
	_ =	sdelay $0x3  }
0x33: {  	p0 =	seq.s32 s10, $0x1;
	s10 =	sld [smem:$0x3FB9];
	_ =	sdelay $0x3  }
0x34: {  	[smem:$0x3FB9] =	sst s10  }
0x35: {  	s10 =	sld [smem:$0x3FB8];
	_ =	sdelay $0x3  }
0x36: {  	p1 =	seq.s32 s10, $0x1;
	s10 =	sld [smem:$0x3FB9];
	_ =	sdelay $0x3  }
0x37: {  	[smem:$0x3FB9] =	sst s10  }
0x38: {  	s10 =	sld [smem:$0x3FBA]  }
0x39: {  	_ = 	snop;
	(pc) =	sbr.ind lr, $3  }
0x3a: {  	_ = 	snop  }
0x3b: {  	_ = 	snop  }
0x3c: {  	p2 =	seq.s32 s10, $0x1;
	s10 =	sld [smem:$0x3FB9]  }
0x3d: {  	_ =	shalt  }
0x3e: {  	_ =	shalt  }
0x3f: {  	_ =	shalt  }
0x40: {  	_ =	shalt  }
0x41: {  	_ =	shalt  }
0x42: {  	_ =	shalt  }
0x43: {  	_ =	shalt  }
0x44: {  	_ =	shalt  }
0x45: {  	_ =	shalt  }
0x46: {  	_ =	shalt  }
0x47: {  	_ =	shalt  }
0x48: {  	_ =	shalt  }
0x49: {  	_ =	shalt  }
0x4a: {  	_ =	shalt  }
0x4b: {  	_ =	shalt  }
0x4c: {  	_ =	shalt  }
0x4d: {  	_ =	shalt  }
0x4e: {  	_ =	shalt  }
0x4f: {  	_ =	shalt  }
0x50: {  	_ =	shalt  }
0x51: {  	_ =	shalt  }
0x52: {  	_ =	shalt  }
0x53: {  	_ =	shalt  }
0x54: {  	_ =	shalt  }
0x55: {  	_ =	shalt  }
0x56: {  	_ =	shalt  }
0x57: {  	_ =	shalt  }
0x58: {  	_ =	shalt  }
0x59: {  	_ =	shalt  }
0x5a: {  	_ =	shalt  }
0x5b: {  	_ =	shalt  }
0x5c: {  	_ =	shalt  }
0x5d: {  	_ =	shalt  }
0x5e: {  	_ =	shalt  }
0x5f: {  	_ =	shalt  }
0x60: {  	_ =	shalt  }
0x61: {  	_ =	shalt  }
0x62: {  	_ =	shalt  }
0x63: {  	_ =	shalt  }
0x64: {  	_ =	shalt  }
0x65: {  	_ =	shalt  }
0x66: {  	_ =	shalt  }
0x67: {  	_ =	shalt  }
0x68: {  	_ =	shalt  }
0x69: {  	_ =	shalt  }
0x6a: {  	_ =	shalt  }
0x6b: {  	_ =	shalt  }
0x6c: {  	_ =	shalt  }
0x6d: {  	_ =	shalt  }
0x6e: {  	_ =	shalt  }
0x6f: {  	_ =	shalt  }
0x70: {  	_ =	shalt  }
0x71: {  	_ =	shalt  }
0x72: {  	_ =	shalt  }
0x73: {  	_ =	shalt  }
0x74: {  	_ =	shalt  }
0x75: {  	_ =	shalt  }
0x76: {  	_ =	shalt  }
0x77: {  	_ =	shalt  }
0x78: {  	_ =	shalt  }
0x79: {  	_ =	shalt  }
0x7a: {  	_ =	shalt  }
0x7b: {  	_ =	shalt  }
0x7c: {  	_ =	shalt  }
0x7d: {  	_ =	shalt  }
0x7e: {  	_ =	shalt  }
0x7f: {  	_ =	shalt  }
0x80: {  	_ =	shalt  }
0x81: {  	_ =	shalt  }
0x82: {  	_ =	shalt  }
0x83: {  	_ =	shalt  }
0x84: {  	_ =	shalt  }
0x85: {  	_ =	shalt  }
0x86: {  	_ =	shalt  }
0x87: {  	_ =	shalt  }
.Lfunc_end0:
.L_simem_size_0:
called_computation_lowered:
.L_overlay_start_0:
0x88: {  	s2 =	sld [smem:$0x3FD9]  }
0x89: {  	s3 =	sld [smem:$0x3FFE];
	_ =	sdelay $0x1  }
0x8a: {  	s1 =	srdreg.scid  }
0x8b: {  	s0 =	sand.u32 $0x1, s1  }
0x8c: {  	s17 =	sshll.u32 s0, $0xA;
	s2 =	sadd.s32 s3, s2  }
0x8d: {  	s2 =	sadd.s32 s2, s17  }
0x8e: {  	[smem:$0x3FC5] =	sst s2  }
0x8f: {  	_ = 	snop  }
0x90: {  	s2 =	sld [smem:$0x3FD0];
	(tm) =	ssettm $0x1  }
0x91: {  	s18 =	sld [smem:$0x3FFB];
	_ =	sdelay $0x3  }
0x92: {  	_ =	strace s18  }
0x93: {  	s3 =	sld [smem:$0x3FFC];
	_ =	sdelay $0x3  }
0x94: {  	_ =	strace s3  }
0x95: {  	s3 =	sld [smem:$0x3FFD];
	_ =	sdelay $0x3  }
0x96: {  	_ =	strace s3  }
0x97: {  	_ =	strace $0x8FFFFFFF  }
0x98: {  	s19 =	sld [smem:$0x3FDB];
	_ =	sdelay $0x1  }
0x99: {  	s4 =	simm.s32 $_scs_section_size  }
0x9a: {  	s5 =	simm.s32 $_size__tile_overlayer_lowered;
	s6 =	simm.s32 $_tile_overlayer_lowered  }
0x9b: {  	s22 =	simm.s32 $0x1BFF;
	s21 =	sshll.u32 s6, $0x1;
	s3 =	sadd.s32 s4, s19  }
0x9c: {  	s7 =	simm.s32 $0x0;
	s20 =	sshll.u32 s5, $0x1;
	s5 =	sadd.s32 s21, s3  }
0x9d: {  	[timem:s7], [sflag:s22] =	dma.local [hbm:s5], s20  }
0x9e: {  	_ =	swait.ge [sflag:s22], s20  }
0x9f: {  	s4 =	ssub.s32 $0x0, s20;
	[sflag:s22] =	ssyncset.done $0x0  }
0xa0: {  	[sflag:s22] =	ssyncadd.s32 s4;
	_ =	sdelay $0x1  }
0xa1: {  	s23 =	simm.s32 $0x1B8B  }
0xa2: {  	_ =	swait.ge [sflag:s23], $0x1  }
0xa3: {  	[sflag:s23] =	ssyncset.done $0x0  }
0xa4: {  	s25 =	simm.s32 $0x1B8E;
	s24 =	sld [smem:$0x3FFE];
	[sflag:s23] =	ssyncadd.s32 $0xFFFFFFFF  }
0xa5: {  	s26 =	simm.s32 $execute0_lowered;
	[smem:$0x3FD2] =	sst s25  }
0xa6: {  	s5 =	sshll.u32 s26, $0x1;
	_ =	strace $0x80000046;
	[dreg:$0x1] =	wrdreg $0xFFFFFFFF  }
0xa7: {  	s28 =	simm.s32 $_size_execute0_lowered;
	s3 =	sadd.s32 s3, s5;
	[dreg:$0x0] =	wrdreg $0x0  }
0xa8: {  	s5 =	sshll.u32 s28, $0x1;
	[dreg:$0x2] =	wrdreg s3  }
0xa9: {  	[dreg:$0x3] =	wrdreg s5  }
0xaa: {  	[dreg:$0x4] =	wrdreg $0xC0  }
0xab: {  	_ =	task [dreg:s7], $0x5FFFF  }
0xac: {  	[dreg:$0x1] =	wrdreg $0xFFFFFFFF  }
0xad: {  	[dreg:$0x0] =	wrdreg $0x60  }
0xae: {  	[dreg:$0x2] =	wrdreg s24  }
0xaf: {  	[dreg:$0x3] =	wrdreg s2  }
0xb0: {  	[dreg:$0x4] =	wrdreg $0x9  }
0xb1: {  	_ =	task.clear_ibuf [dreg:s7], $0x5FFFF;
	_ =	strace $0x90000046  }
0xb2: {  	s29 =	simm.s32 $0x9;
	_ =	strace $0x80000048  }
0xb3: {  	_ =	swait.ge [sflag:s29], $0x1  }
0xb4: {  	[sflag:s29] =	ssyncadd.s32 $0xFFFFFFFF  }
0xb5: {  	_ =	strace $0x90000048  }
0xb6: {  	_ =	sfence  }
0xb7: {  	s30 =	sld [smem:$0x0];
	_ =	sdelay $0x2  }
0xb8: {  	s31 =	sshll.u32 s1, $0xD;
	s1 =	sshrl.u32 s1, $0x2  }
0xb9: {  	s3 =	sand.u32 $0x4000, s31;
	s1 =	sadd.s32 s1, s30  }
0xba: {  	s0 =	sor.u32 s3, s0;
	s1 =	sshll.u32 s1, $0x11  }
0xbb: {  	s0 =	sor.u32 s1, s0  }
0xbc: {  	s0 =	sadd.s32 $0x8F2B, s0  }
0xbd: {  	[sflag:s0] =	ssyncadd.remote.s32 $0x1  }
0xbe: {  	_ =	sfence.sel $0xFFFF  }
0xbf: {  	[dreg:$0x0] =	wrdreg $0xFFFFFFFF;
	(pc) =	sbr.abs _section_cstart, $3  }
0xc0: {  	[dreg:$0x1] =	wrdreg $0xFFFFFFFF  }
0xc1: {  	_ =	task.clear_ibuf [dreg:s7], $0x2FFFF;
	_ =	strace $0x9FFFFFFF  }
0xc2: {  	(tm) =	ssettm $0x7FFFFFFF  }
0xc3: {  	_ =	shalt  }
tec
execute0_lowered:
.L_overlay_start_1:
0x0: {  	(tag) =	ssettag $0x1  }
0x1: {  	s0 =	rddreg [dreg:$0x0];
	s1 =	srdreg.scid  }
0x2: {  	s10 =	stileid.u32;
	s4 =	rddreg [dreg:$0x1]  }
0x3: {  	s2 =	simm.s32 $0x0;
	s17 =	simm.s32 $0x9;
	s18 =	simm.s32 $0x80  }
0x4: {  	s28 =	simm.s32 $0x5;
	s30 =	simm.s32 $0x3;
	s31 =	simm.s32 $0x6  }
0x5: {  	s1 =	sand.u32 $0x1, s1;
	s3 =	sshll.u32 s10, $0x1;
	s21 =	smul.u32 $0x190, s10  }
0x6: {  	s5 =	sor.u32 s1, s3;
	s7 =	ssub.s32 $0x2, s1;
	s1 =	smul.u32 $0xC8, s1  }
0x7: {  	s29 =	simm.s32 $0x8;
	[smem:$0x7FF] =	sst s2;
	s3 =	smul.u32 $0xC80, s5  }
0x8: {  	_ =	strace $0x80000047;
	s8 =	smul.u32 $0x64000, s5;
	s19 =	sshrl.u32 s7, $0x1  }
0x9: {  	s9 =	smul.u32 $0x320000, s5;
	s1 =	sadd.s32 s1, s21;
	s21 =	simm.s32 $0x7  }
0xa: {  	s6 =	sadd.s32 s3, s0;
	s3 =	sadd.s32 $0x1E9DE00, s0;
	s0 =	ssub.s32 s7, s19  }
0xb: {  	s5 =	sadd.s32 s4, s8;
	s22 =	sshrl.u32 s9, $0x3;
	s1 =	sshll.u32 s1, $0xB  }
0xc: {  	s19 =	simm.s32 $0x6400;
	s20 =	sadd.s32 $0x1E84E00, s6;
	s8 =	sadd.s32 $0x800, s5  }
0xd: {  	s23 =	sadd.s32 $0x1000, s5;
	s7 =	sadd.s32 s4, s22;
	[dreg:$0x3] =	wrdreg s20  }
0xe: {  	s24 =	sadd.s32 $0x1800, s5;
	s13 =	smax.u32 s0, $0x1;
	[dreg:$0x4] =	wrdreg s8  }
0xf: {  	s26 =	sadd.s32 s1, s4;
	s22 =	simm.s32 $0xE400;
	[dreg:$0x5] =	wrdreg s23  }
0x10: {  	s0 =	simm.s32 $0x4;
	[dreg:$0x6] =	wrdreg s24;
	s25 =	sadd.s32 $0x62000, s7  }
0x11: {  	s10 =	sadd.s32 $0x62800, s7;
	s11 =	sadd.s32 $0x63000, s7;
	s12 =	sadd.s32 $0x63800, s7  }
0x12: {  	s14 =	sadd.s32 $0x3000, s26;
	s15 =	sadd.s32 $0x2800, s26;
	s16 =	sadd.s32 $0x2000, s26  }
0x13: {  	s20 =	simm.s32 $0xA400;
	s23 =	simm.s32 $0x1;
	s26 =	simm.s32 $0x2  }
0x14: {  	s24 =	simm.s32 $0x0;
	[dreg:$0x7] =	wrdreg s25;
	s25 =	simm.s32 $0x12400  }
.LBB2_1:
0x15: {  	s1 =	rddreg [dreg:$0x3]  }
0x16: {  	[tilespmem:s2], [sflag:$0x9] =	stream.linear.gather [hbm4b:s1+s2], $0x6400, $0x38;
	[tilespmem:$0x16400] =	vst v63  }
0x17: {  	_ =	swait.ge [sflag:s17], $0x6400  }
0x18: {  	[sflag:s17] =	ssyncset.done $0x0  }
0x19: {  	[sflag:s17] =	ssyncadd.s32 $0xFFFF9C00  }
0x1a: {  	[tilespmem:s19], [sflag:$0x1] =	stream.indirect.gather [hbm4b:s3+s18], $0x80, s2, s18, $0xb8;
	[tilespmem:$0x16400] =	vst v63  }
0x1b: {  	_ = 	snop  }
0x1c: {  	[tilespmem:s20], [sflag:$0x2] =	stream.indirect.gather [hbm4b:s3+s18], $0x80, s18, s18, $0xb8;
	[tilespmem:$0x16400] =	vst v63  }
0x1d: {  	s8 =	simm.s32 $0x100  }
0x1e: {  	[tilespmem:s22], [sflag:$0x3] =	stream.indirect.gather [hbm4b:s3+s18], $0x80, s8, s18, $0xb8;
	[tilespmem:$0x16400] =	vst v63  }
0x1f: {  	_ =	swait.ge [sflag:s23], $0x4000  }
0x20: {  	[sflag:s23] =	ssyncset.done $0x0  }
0x21: {  	[sflag:s23] =	ssyncadd.s32 $0xFFFFC000  }
0x22: {  	[hbm4b:s5+s2] =	stream.linear.scatter [tilespmem:s19], [sflag:$0x5], $0x4000, $0x38;
	[tilespmem:$0x16400] =	vst v63  }
0x23: {  	s9 =	simm.s32 $0x180  }
0x24: {  	[tilespmem:s25], [sflag:$0x4] =	stream.indirect.gather [hbm4b:s3+s18], $0x80, s9, s18, $0xb8;
	[tilespmem:$0x16400] =	vst v63  }
0x25: {  	_ =	swait.ge [sflag:s26], $0x4000  }
0x26: {  	[sflag:s26] =	ssyncset.done $0x0  }
0x27: {  	s4 =	rddreg [dreg:$0x4];
	[sflag:s26] =	ssyncadd.s32 $0xFFFFC000  }
0x28: {  	[hbm4b:s4+s2] =	stream.linear.scatter [tilespmem:s20], [sflag:$0x6], $0x4000, $0x38;
	[tilespmem:$0x16400] =	vst v63  }
0x29: {  	_ =	swait.ge [sflag:s28], $0x4000  }
0x2a: {  	[sflag:s28] =	ssyncset.done $0x0  }
0x2b: {  	s6 =	simm.s32 $0x200;
	[sflag:s28] =	ssyncadd.s32 $0xFFFFC000  }
0x2c: {  	[tilespmem:s19], [sflag:$0x1] =	stream.indirect.gather [hbm4b:s3+s18], $0x80, s6, s18, $0xb8;
	[tilespmem:$0x16400] =	vst v63  }
0x2d: {  	_ =	swait.ge [sflag:s30], $0x4000  }
0x2e: {  	[sflag:s30] =	ssyncset.done $0x0  }
0x2f: {  	s7 =	rddreg [dreg:$0x5];
	[sflag:s30] =	ssyncadd.s32 $0xFFFFC000  }
0x30: {  	[hbm4b:s7+s2] =	stream.linear.scatter [tilespmem:s22], [sflag:$0x7], $0x4000, $0x38;
	[tilespmem:$0x16400] =	vst v63  }
0x31: {  	_ =	swait.ge [sflag:s31], $0x4000  }
0x32: {  	[sflag:s31] =	ssyncset.done $0x0  }
0x33: {  	s8 =	simm.s32 $0x280;
	[sflag:s31] =	ssyncadd.s32 $0xFFFFC000  }
0x34: {  	[tilespmem:s20], [sflag:$0x2] =	stream.indirect.gather [hbm4b:s3+s18], $0x80, s8, s18, $0xb8;
	[tilespmem:$0x16400] =	vst v63  }
0x35: {  	_ =	swait.ge [sflag:s0], $0x4000  }
0x36: {  	[sflag:s0] =	ssyncset.done $0x0  }
0x37: {  	s9 =	rddreg [dreg:$0x6];
	[sflag:s0] =	ssyncadd.s32 $0xFFFFC000  }
0x38: {  	[hbm4b:s9+s2] =	stream.linear.scatter [tilespmem:s25], [sflag:$0x8], $0x4000, $0x38;
	[tilespmem:$0x16400] =	vst v63  }
0x39: {  	_ =	swait.ge [sflag:s21], $0x4000  }
0x3a: {  	[sflag:s21] =	ssyncset.done $0x0  }
0x3b: {  	s4 =	simm.s32 $0x300;
	[sflag:s21] =	ssyncadd.s32 $0xFFFFC000  }
0x3c: {  	[tilespmem:s22], [sflag:$0x3] =	stream.indirect.gather [hbm4b:s3+s18], $0x80, s4, s18, $0xb8;
	[tilespmem:$0x16400] =	vst v63  }
0x3d: {  	_ =	swait.ge [sflag:s23], $0x4000  }
0x3e: {  	[sflag:s23] =	ssyncset.done $0x0  }
0x3f: {  	[sflag:s23] =	ssyncadd.s32 $0xFFFFC000  }
0x40: {  	[hbm4b:s16+s2] =	stream.linear.scatter [tilespmem:s19], [sflag:$0x5], $0x4000, $0x38;
	[tilespmem:$0x16400] =	vst v63  }
0x41: {  	_ =	swait.ge [sflag:s29], $0x4000  }
0x42: {  	[sflag:s29] =	ssyncset.done $0x0  }
0x43: {  	s6 =	simm.s32 $0x380;
	[sflag:s29] =	ssyncadd.s32 $0xFFFFC000  }
0x44: {  	[tilespmem:s25], [sflag:$0x4] =	stream.indirect.gather [hbm4b:s3+s18], $0x80, s6, s18, $0xb8;
	[tilespmem:$0x16400] =	vst v63  }
0x45: {  	_ =	swait.ge [sflag:s26], $0x4000  }
0x46: {  	[sflag:s26] =	ssyncset.done $0x0  }
0x47: {  	[sflag:s26] =	ssyncadd.s32 $0xFFFFC000  }
0x48: {  	[hbm4b:s15+s2] =	stream.linear.scatter [tilespmem:s20], [sflag:$0x6], $0x4000, $0x38;
	[tilespmem:$0x16400] =	vst v63  }
0x49: {  	_ =	swait.ge [sflag:s28], $0x4000  }
0x4a: {  	[sflag:s28] =	ssyncset.done $0x0  }
0x4b: {  	s7 =	simm.s32 $0x400;
	[sflag:s28] =	ssyncadd.s32 $0xFFFFC000  }
0x4c: {  	[tilespmem:s19], [sflag:$0x1] =	stream.indirect.gather [hbm4b:s3+s18], $0x80, s7, s18, $0xb8;
	[tilespmem:$0x16400] =	vst v63  }
0x4d: {  	_ =	swait.ge [sflag:s30], $0x4000  }
0x4e: {  	[sflag:s30] =	ssyncset.done $0x0  }
0x4f: {  	[sflag:s30] =	ssyncadd.s32 $0xFFFFC000  }
0x50: {  	[hbm4b:s14+s2] =	stream.linear.scatter [tilespmem:s22], [sflag:$0x7], $0x4000, $0x38;
	[tilespmem:$0x16400] =	vst v63  }
0x51: {  	_ =	swait.ge [sflag:s31], $0x4000  }
0x52: {  	[sflag:s31] =	ssyncset.done $0x0  }
0x53: {  	s8 =	simm.s32 $0x480;
	[sflag:s31] =	ssyncadd.s32 $0xFFFFC000  }
0x54: {  	[tilespmem:s20], [sflag:$0x2] =	stream.indirect.gather [hbm4b:s3+s18], $0x80, s8, s18, $0xb8;
	[tilespmem:$0x16400] =	vst v63  }
0x55: {  	_ =	swait.ge [sflag:s0], $0x4000  }
0x56: {  	[sflag:s0] =	ssyncset.done $0x0  }
0x57: {  	s9 =	sadd.s32 $0x1000, s15;
	[sflag:s0] =	ssyncadd.s32 $0xFFFFC000  }
0x58: {  	[hbm4b:s9+s2] =	stream.linear.scatter [tilespmem:s25], [sflag:$0x8], $0x4000, $0x38;
	[tilespmem:$0x16400] =	vst v63  }
0x59: {  	s1 =	simm.s32 $0x800;
	_ =	swait.ge [sflag:s21], $0x4000  }
0x5a: {  	s4 =	sadd.s32 $0x2000, s15;
	s6 =	sadd.s32 $0x2000, s16;
	[sflag:s21] =	ssyncset.done $0x0  }
0x5b: {  	s7 =	sadd.s32 $0x2000, s14;
	s8 =	simm.s32 $0x500;
	[sflag:s21] =	ssyncadd.s32 $0xFFFFC000  }
.LBB2_2:
0x5c: {  	[tilespmem:s22], [sflag:$0x3] =	stream.indirect.gather [hbm4b:s3+s18], $0x80, s8, s18, $0xb8;
	[tilespmem:$0x16400] =	vst v63  }
0x5d: {  	s8 =	smov.u32 s1  }
0x5e: {  	p0 =	sne.s32 s1, $0x17800;
	s1 =	sadd.s32 $0x800, s1;
	_ =	swait.ge [sflag:s23], $0x4000  }
0x5f: {  	[sflag:s23] =	ssyncset.done $0x0  }
0x60: {  	[sflag:s23] =	ssyncadd.s32 $0xFFFFC000  }
0x61: {  	[hbm4b:s6+s2] =	stream.linear.scatter [tilespmem:s19], [sflag:$0x5], $0x4000, $0x38;
	[tilespmem:$0x16400] =	vst v63  }
0x62: {  	_ =	swait.ge [sflag:s29], $0x4000  }
0x63: {  	s8 =	sshra.s32 s8, $0x2;
	[sflag:s29] =	ssyncset.done $0x0  }
0x64: {  	s9 =	sadd.s32 $0x380, s8;
	[sflag:s29] =	ssyncadd.s32 $0xFFFFC000  }
0x65: {  	[tilespmem:s25], [sflag:$0x4] =	stream.indirect.gather [hbm4b:s3+s18], $0x80, s9, s18, $0xb8;
	[tilespmem:$0x16400] =	vst v63  }
0x66: {  	_ =	swait.ge [sflag:s26], $0x4000  }
0x67: {  	[sflag:s26] =	ssyncset.done $0x0  }
0x68: {  	[sflag:s26] =	ssyncadd.s32 $0xFFFFC000  }
0x69: {  	[hbm4b:s4+s2] =	stream.linear.scatter [tilespmem:s20], [sflag:$0x6], $0x4000, $0x38;
	[tilespmem:$0x16400] =	vst v63  }
0x6a: {  	_ =	swait.ge [sflag:s28], $0x4000  }
0x6b: {  	[sflag:s28] =	ssyncset.done $0x0  }
0x6c: {  	s9 =	sadd.s32 $0x400, s8;
	[sflag:s28] =	ssyncadd.s32 $0xFFFFC000  }
0x6d: {  	[tilespmem:s19], [sflag:$0x1] =	stream.indirect.gather [hbm4b:s3+s18], $0x80, s9, s18, $0xb8;
	[tilespmem:$0x16400] =	vst v63  }
0x6e: {  	_ =	swait.ge [sflag:s30], $0x4000  }
0x6f: {  	[sflag:s30] =	ssyncset.done $0x0  }
0x70: {  	[sflag:s30] =	ssyncadd.s32 $0xFFFFC000  }
0x71: {  	[hbm4b:s7+s2] =	stream.linear.scatter [tilespmem:s22], [sflag:$0x7], $0x4000, $0x38;
	[tilespmem:$0x16400] =	vst v63  }
0x72: {  	_ =	swait.ge [sflag:s31], $0x4000  }
0x73: {  	[sflag:s31] =	ssyncset.done $0x0  }
0x74: {  	s9 =	sadd.s32 $0x480, s8;
	[sflag:s31] =	ssyncadd.s32 $0xFFFFC000  }
0x75: {  	[tilespmem:s20], [sflag:$0x2] =	stream.indirect.gather [hbm4b:s3+s18], $0x80, s9, s18, $0xb8;
	[tilespmem:$0x16400] =	vst v63  }
0x76: {  	_ =	swait.ge [sflag:s0], $0x4000  }
0x77: {  	[sflag:s0] =	ssyncset.done $0x0  }
.Ltmp0:
0x78: {  	s9 =	sadd.s32 $0x1000, s4;
	[sflag:s0] =	ssyncadd.s32 $0xFFFFC000;
	(pc) =	sbr.rel @p0 .LBB2_2-.Ltmp0, $4  }
0x79: {  	[hbm4b:s9+s2] =	stream.linear.scatter [tilespmem:s25], [sflag:$0x8], $0x4000, $0x38;
	[tilespmem:$0x16400] =	vst v63  }
0x7a: {  	_ =	swait.ge [sflag:s21], $0x4000  }
0x7b: {  	s6 =	sadd.s32 $0x2000, s6;
	s4 =	sadd.s32 $0x2000, s4;
	[sflag:s21] =	ssyncset.done $0x0  }
0x7c: {  	s8 =	sadd.s32 $0x500, s8;
	s7 =	sadd.s32 $0x2000, s7;
	[sflag:s21] =	ssyncadd.s32 $0xFFFFC000  }
0x7d: {  	[tilespmem:s22], [sflag:$0x3] =	stream.indirect.gather [hbm4b:s3+s18], $0x80, s8, s18, $0xb8;
	[tilespmem:$0x16400] =	vst v63  }
0x7e: {  	_ =	swait.ge [sflag:s23], $0x4000  }
0x7f: {  	[sflag:s23] =	ssyncset.done $0x0  }
0x80: {  	s1 =	rddreg [dreg:$0x7];
	[sflag:s23] =	ssyncadd.s32 $0xFFFFC000  }
0x81: {  	[hbm4b:s1+s2] =	stream.linear.scatter [tilespmem:s19], [sflag:$0x5], $0x4000, $0x38;
	[tilespmem:$0x16400] =	vst v63  }
0x82: {  	_ =	swait.ge [sflag:s29], $0x4000  }
0x83: {  	[sflag:s29] =	ssyncset.done $0x0  }
0x84: {  	s9 =	simm.s32 $0x6380;
	[sflag:s29] =	ssyncadd.s32 $0xFFFFC000  }
0x85: {  	[tilespmem:s25], [sflag:$0x4] =	stream.indirect.gather [hbm4b:s3+s18], $0x80, s9, s18, $0xb8;
	[tilespmem:$0x16400] =	vst v63  }
0x86: {  	_ =	swait.ge [sflag:s26], $0x4000  }
0x87: {  	[sflag:s26] =	ssyncset.done $0x0  }
0x88: {  	[sflag:s26] =	ssyncadd.s32 $0xFFFFC000  }
0x89: {  	[hbm4b:s10+s2] =	stream.linear.scatter [tilespmem:s20], [sflag:$0x6], $0x4000, $0x38;
	[tilespmem:$0x16400] =	vst v63  }
0x8a: {  	_ =	swait.ge [sflag:s30], $0x4000  }
0x8b: {  	[sflag:s30] =	ssyncset.done $0x0  }
0x8c: {  	[sflag:s30] =	ssyncadd.s32 $0xFFFFC000  }
0x8d: {  	[hbm4b:s11+s2] =	stream.linear.scatter [tilespmem:s22], [sflag:$0x7], $0x4000, $0x38;
	[tilespmem:$0x16400] =	vst v63  }
0x8e: {  	_ =	swait.ge [sflag:s0], $0x4000  }
0x8f: {  	[sflag:s0] =	ssyncset.done $0x0  }
0x90: {  	[sflag:s0] =	ssyncadd.s32 $0xFFFFC000  }
0x91: {  	[hbm4b:s12+s2] =	stream.linear.scatter [tilespmem:s25], [sflag:$0x8], $0x4000, $0x38;
	[tilespmem:$0x16400] =	vst v63  }
0x92: {  	_ =	swait.ge [sflag:s28], $0x4000  }
0x93: {  	[sflag:s28] =	ssyncset.done $0x0  }
0x94: {  	[sflag:s28] =	ssyncadd.s32 $0xFFFFC000  }
0x95: {  	_ =	swait.ge [sflag:s31], $0x4000  }
0x96: {  	[sflag:s31] =	ssyncset.done $0x0  }
0x97: {  	s24 =	sadd.s32 $0x1, s24;
	[sflag:s31] =	ssyncadd.s32 $0xFFFFC000  }
0x98: {  	p0 =	sne.s32 s24, s13;
	_ =	swait.ge [sflag:s21], $0x4000  }
.Ltmp1:
0x99: {  	[sflag:s21] =	ssyncset.done $0x0;
	(pc) =	sbr.rel @p0 .LBB2_1-.Ltmp1, $4  }
0x9a: {  	[sflag:s21] =	ssyncadd.s32 $0xFFFFC000  }
0x9b: {  	_ =	swait.ge [sflag:s29], $0x4000  }
0x9c: {  	[sflag:s29] =	ssyncset.done $0x0  }
0x9d: {  	[sflag:s29] =	ssyncadd.s32 $0xFFFFC000  }
0x9e: {  	_ =	sfence.sel $0x180000  }
0x9f: {  	[bflag:$0x0] =	sbarrier.arrive $0xFFFF  }
0xa0: {  	_ =	strace $0x90000047  }
0xa1: {  	s0 =	stileid.u32;
	[bflag:$0x2] =	sbarrier.arrive $0xFFFF  }
0xa2: {  	p0 =	sne.s32 s0, $0x0;
	s0 =	rddreg [dreg:$0x2]  }
0xa3: {  	s0 =	sadd.s32 @!p0 $0x100000, s0  }
0xa4: {  	[sflag:s0] =	ssyncadd.tile.s32 @!p0 $0x1;
	_ =	shalt  }
.Lfunc_end2:
_tile_overlayer_lowered:
.L_overlay_start_2:
0xa5: {  	(tag) =	ssettag $0x2  }
0xa6: {  	s0 =	rddreg [dreg:$0x0];
	s2 =	stileid.u32  }
0xa7: {  	s1 =	rddreg [dreg:$0x1];
	p0 =	sne.s32 s2, $0x0  }
0xa8: {  	s3 =	rddreg [dreg:$0x2];
	[bflag:$0x3] =	sbarrier.arrive $0xFFFF;
	s2 =	simm.s32 @!p0 $0x1C09  }
0xa9: {  	[timem:s3], [sflag:s2] =	dma.local @!p0 [hbm:s0], s1  }
0xaa: {  	s0 =	simm.s32 @!p0 $0x9  }
0xab: {  	_ =	swait.ge @!p0 [sflag:s0], s1  }
0xac: {  	s1 =	ssub.s32 @!p0 $0x0, s1;
	[sflag:s0] =	ssyncset.done @!p0 $0x0  }
0xad: {  	[sflag:s0] =	ssyncadd.s32 @!p0 s1  }
0xae: {  	[bflag:$0x3] =	sbarrier.arrive $0xFFFF  }
0xaf: {  	_ =	shalt  }

</sc_bundles>
